<compile_context>
chip_gen: v7x
topology: tpu7x:2x2x1
jax: 0.10.2.dev20260603
libtpu: 0.0.44.dev20260713+nightly
codegen_flags: <defaults>
</compile_context>

<pallas_src>
import functools

import jax
import jax.numpy as jnp
from jax import lax
from jax.experimental import pallas as pl
from jax.experimental.pallas import tpu as pltpu
from jax.experimental.pallas import tpu_sc as plsc

B = 2
N = 512
D = 64
L = 16
NC = 2
NS = 16
NW = NC * NS
BLOCKS_PER_W = (B * N) // NW


R = 128
NCH = N // R


def _body(x1_hbm, x2_hbm, out_hbm, x1_v, x2_v, left0, left1, sem0, sem1, sem2):
    c = lax.axis_index("c")
    s = lax.axis_index("s")
    wid = s * NC + c
    b = wid // (NW // B)
    i0 = (wid % (NW // B)) * BLOCKS_PER_W

    stage1 = pltpu.make_async_copy(x1_hbm.at[b, pl.ds(i0, BLOCKS_PER_W)], x1_v,
                                   sem0)
    stage2 = pltpu.make_async_copy(x2_hbm.at[b], x2_v, sem1)
    stage1.start()
    stage2.start()
    stage1.wait()
    stage2.wait()

    lefts = (left0, left1)
    sems = (sem0, sem1)

    def left_dst(i, ch):
        return out_hbm.at[b, i, pl.ds(ch * R, R), pl.ds(0, D)]

    def right_dst(i):
        return out_hbm.at[b, i, pl.ds(0, N), pl.ds(D, D)]

    @pl.loop(0, BLOCKS_PER_W // 2)
    def _blocks(u):
        for k in range(2):
            t = 2 * u + k
            i = i0 + t

            pltpu.make_async_copy(x2_v, right_dst(i), sem2).start()

            @pl.when(u > 0)
            def _wait():
                for ch in range(NCH):
                    pltpu.make_async_copy(lefts[k], left_dst(i, ch),
                                          sems[k]).wait()

            v0 = x1_v[t, pl.ds(0 * L, L)]
            v1 = x1_v[t, pl.ds(1 * L, L)]
            v2 = x1_v[t, pl.ds(2 * L, L)]
            v3 = x1_v[t, pl.ds(3 * L, L)]

            @pl.loop(0, R, unroll=16)
            def _fill(r):
                lefts[k][r, pl.ds(0 * L, L)] = v0
                lefts[k][r, pl.ds(1 * L, L)] = v1
                lefts[k][r, pl.ds(2 * L, L)] = v2
                lefts[k][r, pl.ds(3 * L, L)] = v3

            for ch in range(NCH):
                pltpu.make_async_copy(lefts[k], left_dst(i, ch),
                                      sems[k]).start()

    for k in range(2):
        for ch in range(NCH):
            pltpu.make_async_copy(lefts[k], left_dst(i0, ch), sems[k]).wait()

    @pl.loop(0, BLOCKS_PER_W)
    def _drain(t):
        pltpu.make_async_copy(x2_v, right_dst(i0), sem2).wait()


@functools.partial(jax.jit, static_argnums=())
def kernel(x1, x2):
    mesh = plsc.VectorSubcoreMesh(core_axis_name="c", subcore_axis_name="s")
    combine = pl.kernel(
        _body,
        mesh=mesh,
        out_type=jax.ShapeDtypeStruct((B, N, N, 2 * D), jnp.float32),
        scratch_types=[
            pltpu.VMEM((BLOCKS_PER_W, D), jnp.float32),
            pltpu.VMEM((N, D), jnp.float32),
            pltpu.VMEM((R, D), jnp.float32),
            pltpu.VMEM((R, D), jnp.float32),
            pltpu.SemaphoreType.DMA,
            pltpu.SemaphoreType.DMA,
            pltpu.SemaphoreType.DMA,
        ],
        compiler_params=pltpu.CompilerParams(use_tc_tiling_on_sc=False),
    )
    out4 = combine(x1, x2)
    return out4.reshape(B, N * N, 2 * D)

# --- scband reference (transcript-rebuilt; emitter-appended) ---
"""Pipeline reference for scband-combine-concat-71365176590409 (READ-ONLY COPY).

The authoritative reference and input builder live on the scoring server;
editing this copy changes nothing except your own understanding.
"""

import jax, jax.numpy as jnp
import numpy as np

NODE_NUM = 512

def setup_inputs(seed: int = 0) -> dict:
    key = jax.random.key(seed)
    k1, k2 = jax.random.split(key)
    x1 = jax.random.normal(k1, (2, NODE_NUM, 64), dtype=jnp.float32)
    x2 = jax.random.normal(k2, (2, NODE_NUM, 64), dtype=jnp.float32)
    return {"x1": x1, "x2": x2}

def reference(x1, x2):
    size = NODE_NUM
    r = jnp.arange(size)
    ii, jj = jnp.meshgrid(r, r, indexing='ij')
    ii = ii.reshape(size * size)
    jj = jj.reshape(size * size)
    # tf.map_fn over the batch dim with gather_nd(nodes, ii) == per-batch row gather
    g1 = jnp.take(x1, ii, axis=1)  # [B, size*size, d]
    g2 = jnp.take(x2, jj, axis=1)  # [B, size*size, d]
    return jnp.concatenate([g1, g2], axis=2)

if __name__ == "__main__":
    import jax
    _d = setup_inputs()
    print(jax.jit(kernel)(*tuple(_d.values())))

</pallas_src>

<mosaic_0001>
#map = affine_map<(d0, d1) -> (0, 0, 0)>
#map1 = affine_map<(d0, d1) -> (0, 0, 0, 0)>
module attributes {stable_mosaic.version = 14 : i64} {
  func.func @_body(%arg0: i32, %arg1: i32, %arg2: memref<2x512x64xf32, #tpu.memory_space<hbm>>, %arg3: memref<2x512x64xf32, #tpu.memory_space<hbm>>, %arg4: memref<2x512x512x128xf32, #tpu.memory_space<hbm>>, %arg5: memref<32x64xf32, #tpu.memory_space<vmem>>, %arg6: memref<512x64xf32, #tpu.memory_space<vmem>>, %arg7: memref<128x64xf32, #tpu.memory_space<vmem>>, %arg8: memref<128x64xf32, #tpu.memory_space<vmem>>, %arg9: memref<!tpu.dma_semaphore, #tpu.memory_space<semaphore_mem>>, %arg10: memref<!tpu.dma_semaphore, #tpu.memory_space<semaphore_mem>>, %arg11: memref<!tpu.dma_semaphore, #tpu.memory_space<semaphore_mem>>) attributes {dimension_semantics = [#tpu.dimension_semantics<core_parallel>, #tpu.dimension_semantics<subcore_parallel>], iteration_bounds = array<i64: 2, 16>, scalar_prefetch = 0 : i64, scratch_operands = 7 : i64, tpu.core_type = #tpu.core_type<sc_vector_subcore>, window_params = [{transform_indices = #map}, {transform_indices = #map}, {transform_indices = #map1}]} {
    %mul3A = arith.constant 2 : i32
    %mul3A_0 = arith.muli %arg1, %mul3A : i32
    %add3A = arith.addi %mul3A_0, %arg0 : i32
    %jit3A = arith.constant 16 : i32
    %div3A = arith.divsi %add3A, %jit3A : i32
    %sign3A = arith.constant 0 : i32
    %sign3A_1 = arith.cmpi sgt, %add3A, %sign3A : i32
    %sign3A_2 = arith.extui %sign3A_1 : i1 to i32
    %sign3A_3 = arith.constant 0 : i32
    %sign3A_4 = arith.cmpi slt, %add3A, %sign3A_3 : i32
    %sign3A_5 = arith.extui %sign3A_4 : i1 to i32
    %sign3A_6 = arith.subi %sign3A_2, %sign3A_5 : i32
    %sign3A_7 = arith.constant 0 : i32
    %sign3A_8 = arith.cmpi sgt, %jit3A, %sign3A_7 : i32
    %sign3A_9 = arith.extui %sign3A_8 : i1 to i32
    %sign3A_10 = arith.constant 0 : i32
    %sign3A_11 = arith.cmpi slt, %jit3A, %sign3A_10 : i32
    %sign3A_12 = arith.extui %sign3A_11 : i1 to i32
    %sign3A_13 = arith.subi %sign3A_9, %sign3A_12 : i32
    %ne3A = arith.cmpi ne, %sign3A_6, %sign3A_13 : i32
    %rem3A = arith.remsi %add3A, %jit3A : i32
    %ne3A_14 = arith.constant 0 : i32
    %ne3A_15 = arith.cmpi ne, %rem3A, %ne3A_14 : i32
    %and3A = arith.andi %ne3A, %ne3A_15 : i1
    %sub3A = arith.constant 1 : i32
    %sub3A_16 = arith.subi %div3A, %sub3A : i32
    %select_n3A = arith.select %and3A, %sub3A_16, %div3A : i32
    %jit3A_17 = arith.constant 16 : i32
    %eq3A = arith.constant 0 : i32
    %eq3A_18 = arith.cmpi eq, %jit3A_17, %eq3A : i32
    %jit3A_19 = arith.constant 1 : i32
    %select_n3A_20 = arith.select %eq3A_18, %jit3A_19, %jit3A_17 : i32
    %rem3A_21 = arith.remsi %add3A, %select_n3A_20 : i32
    %ne3A_22 = arith.constant 0 : i32
    %ne3A_23 = arith.cmpi ne, %rem3A_21, %ne3A_22 : i32
    %lt3A = arith.constant 0 : i32
    %lt3A_24 = arith.cmpi slt, %rem3A_21, %lt3A : i32
    %lt3A_25 = arith.constant 0 : i32
    %lt3A_26 = arith.cmpi slt, %select_n3A_20, %lt3A_25 : i32
    %ne3A_27 = arith.xori %lt3A_24, %lt3A_26 : i1
    %and3A_28 = arith.andi %ne3A_27, %ne3A_23 : i1
    %add3A_29 = arith.addi %rem3A_21, %select_n3A_20 : i32
    %select_n3A_30 = arith.select %and3A_28, %add3A_29, %rem3A_21 : i32
    %mul3A_31 = arith.constant 32 : i32
    %mul3A_32 = arith.muli %select_n3A_30, %mul3A_31 : i32
    %dma_start3A = arith.constant 0 : i32
    %dma_start3A_33 = tpu.memref_slice %arg2[%select_n3A, %mul3A_32, %dma_start3A] : memref<2x512x64xf32, #tpu.memory_space<hbm>> -> memref<1x32x64xf32, #tpu.memory_space<hbm>>
    %dma_start3A_34 = tpu.memref_squeeze %dma_start3A_33 : memref<1x32x64xf32, #tpu.memory_space<hbm>> -> memref<32x64xf32, #tpu.memory_space<hbm>>
    %dma_start3A_35 = arith.constant 0 : i32
    %dma_start3A_36 = tpu.memref_slice %arg2[%select_n3A, %mul3A_32, %dma_start3A_35] : memref<2x512x64xf32, #tpu.memory_space<hbm>> -> memref<1x32x64xf32, #tpu.memory_space<hbm>>
    %dma_start3A_37 = tpu.memref_squeeze %dma_start3A_36 : memref<1x32x64xf32, #tpu.memory_space<hbm>> -> memref<32x64xf32, #tpu.memory_space<hbm>>
    tpu.enqueue_dma source(%dma_start3A_37 : memref<32x64xf32, #tpu.memory_space<hbm>>) target(%arg5 : memref<32x64xf32, #tpu.memory_space<vmem>>) target_semaphore(%arg9 : memref<!tpu.dma_semaphore, #tpu.memory_space<semaphore_mem>>)
    %dma_start3A_38 = arith.constant 0 : i32
    %dma_start3A_39 = arith.constant 0 : i32
    %dma_start3A_40 = tpu.memref_slice %arg3[%select_n3A, %dma_start3A_38, %dma_start3A_39] : memref<2x512x64xf32, #tpu.memory_space<hbm>> -> memref<1x512x64xf32, #tpu.memory_space<hbm>>
    %dma_start3A_41 = tpu.memref_squeeze %dma_start3A_40 : memref<1x512x64xf32, #tpu.memory_space<hbm>> -> memref<512x64xf32, #tpu.memory_space<hbm>>
    %dma_start3A_42 = arith.constant 0 : i32
    %dma_start3A_43 = arith.constant 0 : i32
    %dma_start3A_44 = tpu.memref_slice %arg3[%select_n3A, %dma_start3A_42, %dma_start3A_43] : memref<2x512x64xf32, #tpu.memory_space<hbm>> -> memref<1x512x64xf32, #tpu.memory_space<hbm>>
    %dma_start3A_45 = tpu.memref_squeeze %dma_start3A_44 : memref<1x512x64xf32, #tpu.memory_space<hbm>> -> memref<512x64xf32, #tpu.memory_space<hbm>>
    tpu.enqueue_dma source(%dma_start3A_45 : memref<512x64xf32, #tpu.memory_space<hbm>>) target(%arg6 : memref<512x64xf32, #tpu.memory_space<vmem>>) target_semaphore(%arg10 : memref<!tpu.dma_semaphore, #tpu.memory_space<semaphore_mem>>)
    %dma_wait3A = arith.constant 0 : i32
    %dma_wait3A_46 = tpu.memref_slice %arg2[%select_n3A, %mul3A_32, %dma_wait3A] : memref<2x512x64xf32, #tpu.memory_space<hbm>> -> memref<1x32x64xf32, #tpu.memory_space<hbm>>
    %dma_wait3A_47 = tpu.memref_squeeze %dma_wait3A_46 : memref<1x32x64xf32, #tpu.memory_space<hbm>> -> memref<32x64xf32, #tpu.memory_space<hbm>>
    %dma_wait3A_48 = arith.constant 0 : i32
    %dma_wait3A_49 = tpu.memref_slice %arg2[%select_n3A, %mul3A_32, %dma_wait3A_48] : memref<2x512x64xf32, #tpu.memory_space<hbm>> -> memref<1x32x64xf32, #tpu.memory_space<hbm>>
    %dma_wait3A_50 = tpu.memref_squeeze %dma_wait3A_49 : memref<1x32x64xf32, #tpu.memory_space<hbm>> -> memref<32x64xf32, #tpu.memory_space<hbm>>
    tpu.wait_dma2 semaphore(%arg9 : memref<!tpu.dma_semaphore, #tpu.memory_space<semaphore_mem>>) src(%dma_wait3A_50 : memref<32x64xf32, #tpu.memory_space<hbm>>) dst(%arg5 : memref<32x64xf32, #tpu.memory_space<vmem>>)
    %dma_wait3A_51 = arith.constant 0 : i32
    %dma_wait3A_52 = arith.constant 0 : i32
    %dma_wait3A_53 = tpu.memref_slice %arg3[%select_n3A, %dma_wait3A_51, %dma_wait3A_52] : memref<2x512x64xf32, #tpu.memory_space<hbm>> -> memref<1x512x64xf32, #tpu.memory_space<hbm>>
    %dma_wait3A_54 = tpu.memref_squeeze %dma_wait3A_53 : memref<1x512x64xf32, #tpu.memory_space<hbm>> -> memref<512x64xf32, #tpu.memory_space<hbm>>
    %dma_wait3A_55 = arith.constant 0 : i32
    %dma_wait3A_56 = arith.constant 0 : i32
    %dma_wait3A_57 = tpu.memref_slice %arg3[%select_n3A, %dma_wait3A_55, %dma_wait3A_56] : memref<2x512x64xf32, #tpu.memory_space<hbm>> -> memref<1x512x64xf32, #tpu.memory_space<hbm>>
    %dma_wait3A_58 = tpu.memref_squeeze %dma_wait3A_57 : memref<1x512x64xf32, #tpu.memory_space<hbm>> -> memref<512x64xf32, #tpu.memory_space<hbm>>
    tpu.wait_dma2 semaphore(%arg10 : memref<!tpu.dma_semaphore, #tpu.memory_space<semaphore_mem>>) src(%dma_wait3A_58 : memref<512x64xf32, #tpu.memory_space<hbm>>) dst(%arg6 : memref<512x64xf32, #tpu.memory_space<vmem>>)
    %scan3A = arith.constant 0 : i32
    %scan3A_59 = arith.constant 16 : i32
    %scan3A_60 = arith.addi %scan3A, %scan3A_59 : i32
    %scan3A_61 = arith.constant 1 : i32
    scf.for %scan3A_132 = %scan3A to %scan3A_60 step %scan3A_61  : i32 {
      %mul3A_133 = arith.constant 1 : i32
      %mul3A_134 = arith.muli %scan3A_132, %mul3A_133 : i32
      %add3A_135 = arith.constant 0 : i32
      %add3A_136 = arith.addi %add3A_135, %mul3A_134 : i32
      %mul3A_137 = arith.constant 2 : i32
      %mul3A_138 = arith.muli %mul3A_137, %add3A_136 : i32
      %add3A_139 = arith.constant 0 : i32
      %add3A_140 = arith.addi %mul3A_138, %add3A_139 : i32
      %add3A_141 = arith.addi %mul3A_32, %add3A_140 : i32
      %dma_start3A_142 = arith.constant 0 : i32
      %dma_start3A_143 = arith.constant 64 : i32
      %dma_start3A_144 = tpu.memref_slice %arg4[%select_n3A, %add3A_141, %dma_start3A_142, %dma_start3A_143] : memref<2x512x512x128xf32, #tpu.memory_space<hbm>> -> memref<1x1x512x64xf32, #tpu.memory_space<hbm>>
      %dma_start3A_145 = tpu.memref_squeeze %dma_start3A_144 : memref<1x1x512x64xf32, #tpu.memory_space<hbm>> -> memref<512x64xf32, #tpu.memory_space<hbm>>
      %dma_start3A_146 = arith.constant 0 : i32
      %dma_start3A_147 = arith.constant 64 : i32
      %dma_start3A_148 = tpu.memref_slice %arg4[%select_n3A, %add3A_141, %dma_start3A_146, %dma_start3A_147] : memref<2x512x512x128xf32, #tpu.memory_space<hbm>> -> memref<1x1x512x64xf32, #tpu.memory_space<hbm>>
      %dma_start3A_149 = tpu.memref_squeeze %dma_start3A_148 : memref<1x1x512x64xf32, #tpu.memory_space<hbm>> -> memref<512x64xf32, #tpu.memory_space<hbm>>
      tpu.enqueue_dma source(%arg6 : memref<512x64xf32, #tpu.memory_space<vmem>>) target(%dma_start3A_149 : memref<512x64xf32, #tpu.memory_space<hbm>>) target_semaphore(%arg11 : memref<!tpu.dma_semaphore, #tpu.memory_space<semaphore_mem>>)
      %gt3A = arith.constant 0 : i32
      %gt3A_150 = arith.cmpi sgt, %add3A_136, %gt3A : i32
      %convert_element_type3A = arith.extui %gt3A_150 : i1 to i32
      %cond3A = arith.constant 0 : i32
      %cond3A_151 = arith.cmpi ne, %convert_element_type3A, %cond3A : i32
      scf.if %cond3A_151 {
        %dma_wait3A_275 = arith.constant 0 : i32
        %dma_wait3A_276 = arith.constant 0 : i32
        %dma_wait3A_277 = tpu.memref_slice %arg4[%select_n3A, %add3A_141, %dma_wait3A_275, %dma_wait3A_276] : memref<2x512x512x128xf32, #tpu.memory_space<hbm>> -> memref<1x1x128x64xf32, #tpu.memory_space<hbm>>
        %dma_wait3A_278 = tpu.memref_squeeze %dma_wait3A_277 : memref<1x1x128x64xf32, #tpu.memory_space<hbm>> -> memref<128x64xf32, #tpu.memory_space<hbm>>
        %dma_wait3A_279 = arith.constant 0 : i32
        %dma_wait3A_280 = arith.constant 0 : i32
        %dma_wait3A_281 = tpu.memref_slice %arg4[%select_n3A, %add3A_141, %dma_wait3A_279, %dma_wait3A_280] : memref<2x512x512x128xf32, #tpu.memory_space<hbm>> -> memref<1x1x128x64xf32, #tpu.memory_space<hbm>>
        %dma_wait3A_282 = tpu.memref_squeeze %dma_wait3A_281 : memref<1x1x128x64xf32, #tpu.memory_space<hbm>> -> memref<128x64xf32, #tpu.memory_space<hbm>>
        tpu.wait_dma2 semaphore(%arg9 : memref<!tpu.dma_semaphore, #tpu.memory_space<semaphore_mem>>) src(%arg7 : memref<128x64xf32, #tpu.memory_space<vmem>>) dst(%dma_wait3A_282 : memref<128x64xf32, #tpu.memory_space<hbm>>)
        %dma_wait3A_283 = arith.constant 128 : i32
        %dma_wait3A_284 = arith.constant 0 : i32
        %dma_wait3A_285 = tpu.memref_slice %arg4[%select_n3A, %add3A_141, %dma_wait3A_283, %dma_wait3A_284] : memref<2x512x512x128xf32, #tpu.memory_space<hbm>> -> memref<1x1x128x64xf32, #tpu.memory_space<hbm>>
        %dma_wait3A_286 = tpu.memref_squeeze %dma_wait3A_285 : memref<1x1x128x64xf32, #tpu.memory_space<hbm>> -> memref<128x64xf32, #tpu.memory_space<hbm>>
        %dma_wait3A_287 = arith.constant 128 : i32
        %dma_wait3A_288 = arith.constant 0 : i32
        %dma_wait3A_289 = tpu.memref_slice %arg4[%select_n3A, %add3A_141, %dma_wait3A_287, %dma_wait3A_288] : memref<2x512x512x128xf32, #tpu.memory_space<hbm>> -> memref<1x1x128x64xf32, #tpu.memory_space<hbm>>
        %dma_wait3A_290 = tpu.memref_squeeze %dma_wait3A_289 : memref<1x1x128x64xf32, #tpu.memory_space<hbm>> -> memref<128x64xf32, #tpu.memory_space<hbm>>
        tpu.wait_dma2 semaphore(%arg9 : memref<!tpu.dma_semaphore, #tpu.memory_space<semaphore_mem>>) src(%arg7 : memref<128x64xf32, #tpu.memory_space<vmem>>) dst(%dma_wait3A_290 : memref<128x64xf32, #tpu.memory_space<hbm>>)
        %dma_wait3A_291 = arith.constant 256 : i32
        %dma_wait3A_292 = arith.constant 0 : i32
        %dma_wait3A_293 = tpu.memref_slice %arg4[%select_n3A, %add3A_141, %dma_wait3A_291, %dma_wait3A_292] : memref<2x512x512x128xf32, #tpu.memory_space<hbm>> -> memref<1x1x128x64xf32, #tpu.memory_space<hbm>>
        %dma_wait3A_294 = tpu.memref_squeeze %dma_wait3A_293 : memref<1x1x128x64xf32, #tpu.memory_space<hbm>> -> memref<128x64xf32, #tpu.memory_space<hbm>>
        %dma_wait3A_295 = arith.constant 256 : i32
        %dma_wait3A_296 = arith.constant 0 : i32
        %dma_wait3A_297 = tpu.memref_slice %arg4[%select_n3A, %add3A_141, %dma_wait3A_295, %dma_wait3A_296] : memref<2x512x512x128xf32, #tpu.memory_space<hbm>> -> memref<1x1x128x64xf32, #tpu.memory_space<hbm>>
        %dma_wait3A_298 = tpu.memref_squeeze %dma_wait3A_297 : memref<1x1x128x64xf32, #tpu.memory_space<hbm>> -> memref<128x64xf32, #tpu.memory_space<hbm>>
        tpu.wait_dma2 semaphore(%arg9 : memref<!tpu.dma_semaphore, #tpu.memory_space<semaphore_mem>>) src(%arg7 : memref<128x64xf32, #tpu.memory_space<vmem>>) dst(%dma_wait3A_298 : memref<128x64xf32, #tpu.memory_space<hbm>>)
        %dma_wait3A_299 = arith.constant 384 : i32
        %dma_wait3A_300 = arith.constant 0 : i32
        %dma_wait3A_301 = tpu.memref_slice %arg4[%select_n3A, %add3A_141, %dma_wait3A_299, %dma_wait3A_300] : memref<2x512x512x128xf32, #tpu.memory_space<hbm>> -> memref<1x1x128x64xf32, #tpu.memory_space<hbm>>
        %dma_wait3A_302 = tpu.memref_squeeze %dma_wait3A_301 : memref<1x1x128x64xf32, #tpu.memory_space<hbm>> -> memref<128x64xf32, #tpu.memory_space<hbm>>
        %dma_wait3A_303 = arith.constant 384 : i32
        %dma_wait3A_304 = arith.constant 0 : i32
        %dma_wait3A_305 = tpu.memref_slice %arg4[%select_n3A, %add3A_141, %dma_wait3A_303, %dma_wait3A_304] : memref<2x512x512x128xf32, #tpu.memory_space<hbm>> -> memref<1x1x128x64xf32, #tpu.memory_space<hbm>>
        %dma_wait3A_306 = tpu.memref_squeeze %dma_wait3A_305 : memref<1x1x128x64xf32, #tpu.memory_space<hbm>> -> memref<128x64xf32, #tpu.memory_space<hbm>>
        tpu.wait_dma2 semaphore(%arg9 : memref<!tpu.dma_semaphore, #tpu.memory_space<semaphore_mem>>) src(%arg7 : memref<128x64xf32, #tpu.memory_space<vmem>>) dst(%dma_wait3A_306 : memref<128x64xf32, #tpu.memory_space<hbm>>)
      } else {
      }
      %get3A = arith.index_cast %add3A_140 : i32 to index
      %get3A_152 = arith.constant 0 : index
      %get3A_153 = tpu.vector_load %arg5[%get3A, %get3A_152] {strides = array<i32>} : memref<32x64xf32, #tpu.memory_space<vmem>>, vector<1x16xf32>,
      %get3A_154 = vector.shape_cast %get3A_153 : vector<1x16xf32> to vector<16xf32>
      %get3A_155 = arith.index_cast %add3A_140 : i32 to index
      %get3A_156 = arith.constant 16 : index
      %get3A_157 = tpu.vector_load %arg5[%get3A_155, %get3A_156] {strides = array<i32>} : memref<32x64xf32, #tpu.memory_space<vmem>>, vector<1x16xf32>,
      %get3A_158 = vector.shape_cast %get3A_157 : vector<1x16xf32> to vector<16xf32>
      %get3A_159 = arith.index_cast %add3A_140 : i32 to index
      %get3A_160 = arith.constant 32 : index
      %get3A_161 = tpu.vector_load %arg5[%get3A_159, %get3A_160] {strides = array<i32>} : memref<32x64xf32, #tpu.memory_space<vmem>>, vector<1x16xf32>,
      %get3A_162 = vector.shape_cast %get3A_161 : vector<1x16xf32> to vector<16xf32>
      %get3A_163 = arith.index_cast %add3A_140 : i32 to index
      %get3A_164 = arith.constant 48 : index
      %get3A_165 = tpu.vector_load %arg5[%get3A_163, %get3A_164] {strides = array<i32>} : memref<32x64xf32, #tpu.memory_space<vmem>>, vector<1x16xf32>,
      %get3A_166 = vector.shape_cast %get3A_165 : vector<1x16xf32> to vector<16xf32>
      %scan3A_167 = arith.constant 0 : i32
      %scan3A_168 = arith.constant 128 : i32
      %scan3A_169 = arith.addi %scan3A_167, %scan3A_168 : i32
      %scan3A_170 = arith.constant 16 : i32
      scf.for %scan3A_275 = %scan3A_167 to %scan3A_169 step %scan3A_170  : i32 {
        %mul3A_276 = arith.constant 1 : i32
        %mul3A_277 = arith.muli %scan3A_275, %mul3A_276 : i32
        %add3A_278 = arith.constant 0 : i32
        %add3A_279 = arith.addi %add3A_278, %mul3A_277 : i32
        %swap3A = arith.index_cast %add3A_279 : i32 to index
        %swap3A_280 = arith.constant 0 : index
        %swap3A_281 = tpu.vector_load %arg7[%swap3A, %swap3A_280] {strides = array<i32>} : memref<128x64xf32, #tpu.memory_space<vmem>>, vector<1x16xf32>,
        %swap3A_282 = vector.shape_cast %swap3A_281 : vector<1x16xf32> to vector<16xf32>
        %swap3A_283 = vector.shape_cast %get3A_154 : vector<16xf32> to vector<1x16xf32>
        tpu.vector_store %arg7[%swap3A, %swap3A_280], %swap3A_283 {strides = array<i32>} : memref<128x64xf32, #tpu.memory_space<vmem>>, vector<1x16xf32>,
        %swap3A_284 = arith.index_cast %add3A_279 : i32 to index
        %swap3A_285 = arith.constant 16 : index
        %swap3A_286 = tpu.vector_load %arg7[%swap3A_284, %swap3A_285] {strides = array<i32>} : memref<128x64xf32, #tpu.memory_space<vmem>>, vector<1x16xf32>,
        %swap3A_287 = vector.shape_cast %swap3A_286 : vector<1x16xf32> to vector<16xf32>
        %swap3A_288 = vector.shape_cast %get3A_158 : vector<16xf32> to vector<1x16xf32>
        tpu.vector_store %arg7[%swap3A_284, %swap3A_285], %swap3A_288 {strides = array<i32>} : memref<128x64xf32, #tpu.memory_space<vmem>>, vector<1x16xf32>,
        %swap3A_289 = arith.index_cast %add3A_279 : i32 to index
        %swap3A_290 = arith.constant 32 : index
        %swap3A_291 = tpu.vector_load %arg7[%swap3A_289, %swap3A_290] {strides = array<i32>} : memref<128x64xf32, #tpu.memory_space<vmem>>, vector<1x16xf32>,
        %swap3A_292 = vector.shape_cast %swap3A_291 : vector<1x16xf32> to vector<16xf32>
        %swap3A_293 = vector.shape_cast %get3A_162 : vector<16xf32> to vector<1x16xf32>
        tpu.vector_store %arg7[%swap3A_289, %swap3A_290], %swap3A_293 {strides = array<i32>} : memref<128x64xf32, #tpu.memory_space<vmem>>, vector<1x16xf32>,
        %swap3A_294 = arith.index_cast %add3A_279 : i32 to index
        %swap3A_295 = arith.constant 48 : index
        %swap3A_296 = tpu.vector_load %arg7[%swap3A_294, %swap3A_295] {strides = array<i32>} : memref<128x64xf32, #tpu.memory_space<vmem>>, vector<1x16xf32>,
        %swap3A_297 = vector.shape_cast %swap3A_296 : vector<1x16xf32> to vector<16xf32>
        %swap3A_298 = vector.shape_cast %get3A_166 : vector<16xf32> to vector<1x16xf32>
        tpu.vector_store %arg7[%swap3A_294, %swap3A_295], %swap3A_298 {strides = array<i32>} : memref<128x64xf32, #tpu.memory_space<vmem>>, vector<1x16xf32>,
        %scan3A_299 = arith.constant 1 : i32
        %scan3A_300 = arith.addi %scan3A_275, %scan3A_299 : i32
        %mul3A_301 = arith.constant 1 : i32
        %mul3A_302 = arith.muli %scan3A_300, %mul3A_301 : i32
        %add3A_303 = arith.constant 0 : i32
        %add3A_304 = arith.addi %add3A_303, %mul3A_302 : i32
        %swap3A_305 = arith.index_cast %add3A_304 : i32 to index
        %swap3A_306 = arith.constant 0 : index
        %swap3A_307 = tpu.vector_load %arg7[%swap3A_305, %swap3A_306] {strides = array<i32>} : memref<128x64xf32, #tpu.memory_space<vmem>>, vector<1x16xf32>,
        %swap3A_308 = vector.shape_cast %swap3A_307 : vector<1x16xf32> to vector<16xf32>
        %swap3A_309 = vector.shape_cast %get3A_154 : vector<16xf32> to vector<1x16xf32>
        tpu.vector_store %arg7[%swap3A_305, %swap3A_306], %swap3A_309 {strides = array<i32>} : memref<128x64xf32, #tpu.memory_space<vmem>>, vector<1x16xf32>,
        %swap3A_310 = arith.index_cast %add3A_304 : i32 to index
        %swap3A_311 = arith.constant 16 : index
        %swap3A_312 = tpu.vector_load %arg7[%swap3A_310, %swap3A_311] {strides = array<i32>} : memref<128x64xf32, #tpu.memory_space<vmem>>, vector<1x16xf32>,
        %swap3A_313 = vector.shape_cast %swap3A_312 : vector<1x16xf32> to vector<16xf32>
        %swap3A_314 = vector.shape_cast %get3A_158 : vector<16xf32> to vector<1x16xf32>
        tpu.vector_store %arg7[%swap3A_310, %swap3A_311], %swap3A_314 {strides = array<i32>} : memref<128x64xf32, #tpu.memory_space<vmem>>, vector<1x16xf32>,
        %swap3A_315 = arith.index_cast %add3A_304 : i32 to index
        %swap3A_316 = arith.constant 32 : index
        %swap3A_317 = tpu.vector_load %arg7[%swap3A_315, %swap3A_316] {strides = array<i32>} : memref<128x64xf32, #tpu.memory_space<vmem>>, vector<1x16xf32>,
        %swap3A_318 = vector.shape_cast %swap3A_317 : vector<1x16xf32> to vector<16xf32>
        %swap3A_319 = vector.shape_cast %get3A_162 : vector<16xf32> to vector<1x16xf32>
        tpu.vector_store %arg7[%swap3A_315, %swap3A_316], %swap3A_319 {strides = array<i32>} : memref<128x64xf32, #tpu.memory_space<vmem>>, vector<1x16xf32>,
        %swap3A_320 = arith.index_cast %add3A_304 : i32 to index
        %swap3A_321 = arith.constant 48 : index
        %swap3A_322 = tpu.vector_load %arg7[%swap3A_320, %swap3A_321] {strides = array<i32>} : memref<128x64xf32, #tpu.memory_space<vmem>>, vector<1x16xf32>,
        %swap3A_323 = vector.shape_cast %swap3A_322 : vector<1x16xf32> to vector<16xf32>
        %swap3A_324 = vector.shape_cast %get3A_166 : vector<16xf32> to vector<1x16xf32>
        tpu.vector_store %arg7[%swap3A_320, %swap3A_321], %swap3A_324 {strides = array<i32>} : memref<128x64xf32, #tpu.memory_space<vmem>>, vector<1x16xf32>,
        %scan3A_325 = arith.constant 2 : i32
        %scan3A_326 = arith.addi %scan3A_275, %scan3A_325 : i32
        %mul3A_327 = arith.constant 1 : i32
        %mul3A_328 = arith.muli %scan3A_326, %mul3A_327 : i32
        %add3A_329 = arith.constant 0 : i32
        %add3A_330 = arith.addi %add3A_329, %mul3A_328 : i32
        %swap3A_331 = arith.index_cast %add3A_330 : i32 to index
        %swap3A_332 = arith.constant 0 : index
        %swap3A_333 = tpu.vector_load %arg7[%swap3A_331, %swap3A_332] {strides = array<i32>} : memref<128x64xf32, #tpu.memory_space<vmem>>, vector<1x16xf32>,
        %swap3A_334 = vector.shape_cast %swap3A_333 : vector<1x16xf32> to vector<16xf32>
        %swap3A_335 = vector.shape_cast %get3A_154 : vector<16xf32> to vector<1x16xf32>
        tpu.vector_store %arg7[%swap3A_331, %swap3A_332], %swap3A_335 {strides = array<i32>} : memref<128x64xf32, #tpu.memory_space<vmem>>, vector<1x16xf32>,
        %swap3A_336 = arith.index_cast %add3A_330 : i32 to index
        %swap3A_337 = arith.constant 16 : index
        %swap3A_338 = tpu.vector_load %arg7[%swap3A_336, %swap3A_337] {strides = array<i32>} : memref<128x64xf32, #tpu.memory_space<vmem>>, vector<1x16xf32>,
        %swap3A_339 = vector.shape_cast %swap3A_338 : vector<1x16xf32> to vector<16xf32>
        %swap3A_340 = vector.shape_cast %get3A_158 : vector<16xf32> to vector<1x16xf32>
        tpu.vector_store %arg7[%swap3A_336, %swap3A_337], %swap3A_340 {strides = array<i32>} : memref<128x64xf32, #tpu.memory_space<vmem>>, vector<1x16xf32>,
        %swap3A_341 = arith.index_cast %add3A_330 : i32 to index
        %swap3A_342 = arith.constant 32 : index
        %swap3A_343 = tpu.vector_load %arg7[%swap3A_341, %swap3A_342] {strides = array<i32>} : memref<128x64xf32, #tpu.memory_space<vmem>>, vector<1x16xf32>,
        %swap3A_344 = vector.shape_cast %swap3A_343 : vector<1x16xf32> to vector<16xf32>
        %swap3A_345 = vector.shape_cast %get3A_162 : vector<16xf32> to vector<1x16xf32>
        tpu.vector_store %arg7[%swap3A_341, %swap3A_342], %swap3A_345 {strides = array<i32>} : memref<128x64xf32, #tpu.memory_space<vmem>>, vector<1x16xf32>,
        %swap3A_346 = arith.index_cast %add3A_330 : i32 to index
        %swap3A_347 = arith.constant 48 : index
        %swap3A_348 = tpu.vector_load %arg7[%swap3A_346, %swap3A_347] {strides = array<i32>} : memref<128x64xf32, #tpu.memory_space<vmem>>, vector<1x16xf32>,
        %swap3A_349 = vector.shape_cast %swap3A_348 : vector<1x16xf32> to vector<16xf32>
        %swap3A_350 = vector.shape_cast %get3A_166 : vector<16xf32> to vector<1x16xf32>
        tpu.vector_store %arg7[%swap3A_346, %swap3A_347], %swap3A_350 {strides = array<i32>} : memref<128x64xf32, #tpu.memory_space<vmem>>, vector<1x16xf32>,
        %scan3A_351 = arith.constant 3 : i32
        %scan3A_352 = arith.addi %scan3A_275, %scan3A_351 : i32
        %mul3A_353 = arith.constant 1 : i32
        %mul3A_354 = arith.muli %scan3A_352, %mul3A_353 : i32
        %add3A_355 = arith.constant 0 : i32
        %add3A_356 = arith.addi %add3A_355, %mul3A_354 : i32
        %swap3A_357 = arith.index_cast %add3A_356 : i32 to index
        %swap3A_358 = arith.constant 0 : index
        %swap3A_359 = tpu.vector_load %arg7[%swap3A_357, %swap3A_358] {strides = array<i32>} : memref<128x64xf32, #tpu.memory_space<vmem>>, vector<1x16xf32>,
        %swap3A_360 = vector.shape_cast %swap3A_359 : vector<1x16xf32> to vector<16xf32>
        %swap3A_361 = vector.shape_cast %get3A_154 : vector<16xf32> to vector<1x16xf32>
        tpu.vector_store %arg7[%swap3A_357, %swap3A_358], %swap3A_361 {strides = array<i32>} : memref<128x64xf32, #tpu.memory_space<vmem>>, vector<1x16xf32>,
        %swap3A_362 = arith.index_cast %add3A_356 : i32 to index
        %swap3A_363 = arith.constant 16 : index
        %swap3A_364 = tpu.vector_load %arg7[%swap3A_362, %swap3A_363] {strides = array<i32>} : memref<128x64xf32, #tpu.memory_space<vmem>>, vector<1x16xf32>,
        %swap3A_365 = vector.shape_cast %swap3A_364 : vector<1x16xf32> to vector<16xf32>
        %swap3A_366 = vector.shape_cast %get3A_158 : vector<16xf32> to vector<1x16xf32>
        tpu.vector_store %arg7[%swap3A_362, %swap3A_363], %swap3A_366 {strides = array<i32>} : memref<128x64xf32, #tpu.memory_space<vmem>>, vector<1x16xf32>,
        %swap3A_367 = arith.index_cast %add3A_356 : i32 to index
        %swap3A_368 = arith.constant 32 : index
        %swap3A_369 = tpu.vector_load %arg7[%swap3A_367, %swap3A_368] {strides = array<i32>} : memref<128x64xf32, #tpu.memory_space<vmem>>, vector<1x16xf32>,
        %swap3A_370 = vector.shape_cast %swap3A_369 : vector<1x16xf32> to vector<16xf32>
        %swap3A_371 = vector.shape_cast %get3A_162 : vector<16xf32> to vector<1x16xf32>
        tpu.vector_store %arg7[%swap3A_367, %swap3A_368], %swap3A_371 {strides = array<i32>} : memref<128x64xf32, #tpu.memory_space<vmem>>, vector<1x16xf32>,
        %swap3A_372 = arith.index_cast %add3A_356 : i32 to index
        %swap3A_373 = arith.constant 48 : index
        %swap3A_374 = tpu.vector_load %arg7[%swap3A_372, %swap3A_373] {strides = array<i32>} : memref<128x64xf32, #tpu.memory_space<vmem>>, vector<1x16xf32>,
        %swap3A_375 = vector.shape_cast %swap3A_374 : vector<1x16xf32> to vector<16xf32>
        %swap3A_376 = vector.shape_cast %get3A_166 : vector<16xf32> to vector<1x16xf32>
        tpu.vector_store %arg7[%swap3A_372, %swap3A_373], %swap3A_376 {strides = array<i32>} : memref<128x64xf32, #tpu.memory_space<vmem>>, vector<1x16xf32>,
        %scan3A_377 = arith.constant 4 : i32
        %scan3A_378 = arith.addi %scan3A_275, %scan3A_377 : i32
        %mul3A_379 = arith.constant 1 : i32
        %mul3A_380 = arith.muli %scan3A_378, %mul3A_379 : i32
        %add3A_381 = arith.constant 0 : i32
        %add3A_382 = arith.addi %add3A_381, %mul3A_380 : i32
        %swap3A_383 = arith.index_cast %add3A_382 : i32 to index
        %swap3A_384 = arith.constant 0 : index
        %swap3A_385 = tpu.vector_load %arg7[%swap3A_383, %swap3A_384] {strides = array<i32>} : memref<128x64xf32, #tpu.memory_space<vmem>>, vector<1x16xf32>,
        %swap3A_386 = vector.shape_cast %swap3A_385 : vector<1x16xf32> to vector<16xf32>
        %swap3A_387 = vector.shape_cast %get3A_154 : vector<16xf32> to vector<1x16xf32>
        tpu.vector_store %arg7[%swap3A_383, %swap3A_384], %swap3A_387 {strides = array<i32>} : memref<128x64xf32, #tpu.memory_space<vmem>>, vector<1x16xf32>,
        %swap3A_388 = arith.index_cast %add3A_382 : i32 to index
        %swap3A_389 = arith.constant 16 : index
        %swap3A_390 = tpu.vector_load %arg7[%swap3A_388, %swap3A_389] {strides = array<i32>} : memref<128x64xf32, #tpu.memory_space<vmem>>, vector<1x16xf32>,
        %swap3A_391 = vector.shape_cast %swap3A_390 : vector<1x16xf32> to vector<16xf32>
        %swap3A_392 = vector.shape_cast %get3A_158 : vector<16xf32> to vector<1x16xf32>
        tpu.vector_store %arg7[%swap3A_388, %swap3A_389], %swap3A_392 {strides = array<i32>} : memref<128x64xf32, #tpu.memory_space<vmem>>, vector<1x16xf32>,
        %swap3A_393 = arith.index_cast %add3A_382 : i32 to index
        %swap3A_394 = arith.constant 32 : index
        %swap3A_395 = tpu.vector_load %arg7[%swap3A_393, %swap3A_394] {strides = array<i32>} : memref<128x64xf32, #tpu.memory_space<vmem>>, vector<1x16xf32>,
        %swap3A_396 = vector.shape_cast %swap3A_395 : vector<1x16xf32> to vector<16xf32>
        %swap3A_397 = vector.shape_cast %get3A_162 : vector<16xf32> to vector<1x16xf32>
        tpu.vector_store %arg7[%swap3A_393, %swap3A_394], %swap3A_397 {strides = array<i32>} : memref<128x64xf32, #tpu.memory_space<vmem>>, vector<1x16xf32>,
        %swap3A_398 = arith.index_cast %add3A_382 : i32 to index
        %swap3A_399 = arith.constant 48 : index
        %swap3A_400 = tpu.vector_load %arg7[%swap3A_398, %swap3A_399] {strides = array<i32>} : memref<128x64xf32, #tpu.memory_space<vmem>>, vector<1x16xf32>,
        %swap3A_401 = vector.shape_cast %swap3A_400 : vector<1x16xf32> to vector<16xf32>
        %swap3A_402 = vector.shape_cast %get3A_166 : vector<16xf32> to vector<1x16xf32>
        tpu.vector_store %arg7[%swap3A_398, %swap3A_399], %swap3A_402 {strides = array<i32>} : memref<128x64xf32, #tpu.memory_space<vmem>>, vector<1x16xf32>,
        %scan3A_403 = arith.constant 5 : i32
        %scan3A_404 = arith.addi %scan3A_275, %scan3A_403 : i32
        %mul3A_405 = arith.constant 1 : i32
        %mul3A_406 = arith.muli %scan3A_404, %mul3A_405 : i32
        %add3A_407 = arith.constant 0 : i32
        %add3A_408 = arith.addi %add3A_407, %mul3A_406 : i32
        %swap3A_409 = arith.index_cast %add3A_408 : i32 to index
        %swap3A_410 = arith.constant 0 : index
        %swap3A_411 = tpu.vector_load %arg7[%swap3A_409, %swap3A_410] {strides = array<i32>} : memref<128x64xf32, #tpu.memory_space<vmem>>, vector<1x16xf32>,
        %swap3A_412 = vector.shape_cast %swap3A_411 : vector<1x16xf32> to vector<16xf32>
        %swap3A_413 = vector.shape_cast %get3A_154 : vector<16xf32> to vector<1x16xf32>
        tpu.vector_store %arg7[%swap3A_409, %swap3A_410], %swap3A_413 {strides = array<i32>} : memref<128x64xf32, #tpu.memory_space<vmem>>, vector<1x16xf32>,
        %swap3A_414 = arith.index_cast %add3A_408 : i32 to index
        %swap3A_415 = arith.constant 16 : index
        %swap3A_416 = tpu.vector_load %arg7[%swap3A_414, %swap3A_415] {strides = array<i32>} : memref<128x64xf32, #tpu.memory_space<vmem>>, vector<1x16xf32>,
        %swap3A_417 = vector.shape_cast %swap3A_416 : vector<1x16xf32> to vector<16xf32>
        %swap3A_418 = vector.shape_cast %get3A_158 : vector<16xf32> to vector<1x16xf32>
        tpu.vector_store %arg7[%swap3A_414, %swap3A_415], %swap3A_418 {strides = array<i32>} : memref<128x64xf32, #tpu.memory_space<vmem>>, vector<1x16xf32>,
        %swap3A_419 = arith.index_cast %add3A_408 : i32 to index
        %swap3A_420 = arith.constant 32 : index
        %swap3A_421 = tpu.vector_load %arg7[%swap3A_419, %swap3A_420] {strides = array<i32>} : memref<128x64xf32, #tpu.memory_space<vmem>>, vector<1x16xf32>,
        %swap3A_422 = vector.shape_cast %swap3A_421 : vector<1x16xf32> to vector<16xf32>
        %swap3A_423 = vector.shape_cast %get3A_162 : vector<16xf32> to vector<1x16xf32>
        tpu.vector_store %arg7[%swap3A_419, %swap3A_420], %swap3A_423 {strides = array<i32>} : memref<128x64xf32, #tpu.memory_space<vmem>>, vector<1x16xf32>,
        %swap3A_424 = arith.index_cast %add3A_408 : i32 to index
        %swap3A_425 = arith.constant 48 : index
        %swap3A_426 = tpu.vector_load %arg7[%swap3A_424, %swap3A_425] {strides = array<i32>} : memref<128x64xf32, #tpu.memory_space<vmem>>, vector<1x16xf32>,
        %swap3A_427 = vector.shape_cast %swap3A_426 : vector<1x16xf32> to vector<16xf32>
        %swap3A_428 = vector.shape_cast %get3A_166 : vector<16xf32> to vector<1x16xf32>
        tpu.vector_store %arg7[%swap3A_424, %swap3A_425], %swap3A_428 {strides = array<i32>} : memref<128x64xf32, #tpu.memory_space<vmem>>, vector<1x16xf32>,
        %scan3A_429 = arith.constant 6 : i32
        %scan3A_430 = arith.addi %scan3A_275, %scan3A_429 : i32
        %mul3A_431 = arith.constant 1 : i32
        %mul3A_432 = arith.muli %scan3A_430, %mul3A_431 : i32
        %add3A_433 = arith.constant 0 : i32
        %add3A_434 = arith.addi %add3A_433, %mul3A_432 : i32
        %swap3A_435 = arith.index_cast %add3A_434 : i32 to index
        %swap3A_436 = arith.constant 0 : index
        %swap3A_437 = tpu.vector_load %arg7[%swap3A_435, %swap3A_436] {strides = array<i32>} : memref<128x64xf32, #tpu.memory_space<vmem>>, vector<1x16xf32>,
        %swap3A_438 = vector.shape_cast %swap3A_437 : vector<1x16xf32> to vector<16xf32>
        %swap3A_439 = vector.shape_cast %get3A_154 : vector<16xf32> to vector<1x16xf32>
        tpu.vector_store %arg7[%swap3A_435, %swap3A_436], %swap3A_439 {strides = array<i32>} : memref<128x64xf32, #tpu.memory_space<vmem>>, vector<1x16xf32>,
        %swap3A_440 = arith.index_cast %add3A_434 : i32 to index
        %swap3A_441 = arith.constant 16 : index
        %swap3A_442 = tpu.vector_load %arg7[%swap3A_440, %swap3A_441] {strides = array<i32>} : memref<128x64xf32, #tpu.memory_space<vmem>>, vector<1x16xf32>,
        %swap3A_443 = vector.shape_cast %swap3A_442 : vector<1x16xf32> to vector<16xf32>
        %swap3A_444 = vector.shape_cast %get3A_158 : vector<16xf32> to vector<1x16xf32>
        tpu.vector_store %arg7[%swap3A_440, %swap3A_441], %swap3A_444 {strides = array<i32>} : memref<128x64xf32, #tpu.memory_space<vmem>>, vector<1x16xf32>,
        %swap3A_445 = arith.index_cast %add3A_434 : i32 to index
        %swap3A_446 = arith.constant 32 : index
        %swap3A_447 = tpu.vector_load %arg7[%swap3A_445, %swap3A_446] {strides = array<i32>} : memref<128x64xf32, #tpu.memory_space<vmem>>, vector<1x16xf32>,
        %swap3A_448 = vector.shape_cast %swap3A_447 : vector<1x16xf32> to vector<16xf32>
        %swap3A_449 = vector.shape_cast %get3A_162 : vector<16xf32> to vector<1x16xf32>
        tpu.vector_store %arg7[%swap3A_445, %swap3A_446], %swap3A_449 {strides = array<i32>} : memref<128x64xf32, #tpu.memory_space<vmem>>, vector<1x16xf32>,
        %swap3A_450 = arith.index_cast %add3A_434 : i32 to index
        %swap3A_451 = arith.constant 48 : index
        %swap3A_452 = tpu.vector_load %arg7[%swap3A_450, %swap3A_451] {strides = array<i32>} : memref<128x64xf32, #tpu.memory_space<vmem>>, vector<1x16xf32>,
        %swap3A_453 = vector.shape_cast %swap3A_452 : vector<1x16xf32> to vector<16xf32>
        %swap3A_454 = vector.shape_cast %get3A_166 : vector<16xf32> to vector<1x16xf32>
        tpu.vector_store %arg7[%swap3A_450, %swap3A_451], %swap3A_454 {strides = array<i32>} : memref<128x64xf32, #tpu.memory_space<vmem>>, vector<1x16xf32>,
        %scan3A_455 = arith.constant 7 : i32
        %scan3A_456 = arith.addi %scan3A_275, %scan3A_455 : i32
        %mul3A_457 = arith.constant 1 : i32
        %mul3A_458 = arith.muli %scan3A_456, %mul3A_457 : i32
        %add3A_459 = arith.constant 0 : i32
        %add3A_460 = arith.addi %add3A_459, %mul3A_458 : i32
        %swap3A_461 = arith.index_cast %add3A_460 : i32 to index
        %swap3A_462 = arith.constant 0 : index
        %swap3A_463 = tpu.vector_load %arg7[%swap3A_461, %swap3A_462] {strides = array<i32>} : memref<128x64xf32, #tpu.memory_space<vmem>>, vector<1x16xf32>,
        %swap3A_464 = vector.shape_cast %swap3A_463 : vector<1x16xf32> to vector<16xf32>
        %swap3A_465 = vector.shape_cast %get3A_154 : vector<16xf32> to vector<1x16xf32>
        tpu.vector_store %arg7[%swap3A_461, %swap3A_462], %swap3A_465 {strides = array<i32>} : memref<128x64xf32, #tpu.memory_space<vmem>>, vector<1x16xf32>,
        %swap3A_466 = arith.index_cast %add3A_460 : i32 to index
        %swap3A_467 = arith.constant 16 : index
        %swap3A_468 = tpu.vector_load %arg7[%swap3A_466, %swap3A_467] {strides = array<i32>} : memref<128x64xf32, #tpu.memory_space<vmem>>, vector<1x16xf32>,
        %swap3A_469 = vector.shape_cast %swap3A_468 : vector<1x16xf32> to vector<16xf32>
        %swap3A_470 = vector.shape_cast %get3A_158 : vector<16xf32> to vector<1x16xf32>
        tpu.vector_store %arg7[%swap3A_466, %swap3A_467], %swap3A_470 {strides = array<i32>} : memref<128x64xf32, #tpu.memory_space<vmem>>, vector<1x16xf32>,
        %swap3A_471 = arith.index_cast %add3A_460 : i32 to index
        %swap3A_472 = arith.constant 32 : index
        %swap3A_473 = tpu.vector_load %arg7[%swap3A_471, %swap3A_472] {strides = array<i32>} : memref<128x64xf32, #tpu.memory_space<vmem>>, vector<1x16xf32>,
        %swap3A_474 = vector.shape_cast %swap3A_473 : vector<1x16xf32> to vector<16xf32>
        %swap3A_475 = vector.shape_cast %get3A_162 : vector<16xf32> to vector<1x16xf32>
        tpu.vector_store %arg7[%swap3A_471, %swap3A_472], %swap3A_475 {strides = array<i32>} : memref<128x64xf32, #tpu.memory_space<vmem>>, vector<1x16xf32>,
        %swap3A_476 = arith.index_cast %add3A_460 : i32 to index
        %swap3A_477 = arith.constant 48 : index
        %swap3A_478 = tpu.vector_load %arg7[%swap3A_476, %swap3A_477] {strides = array<i32>} : memref<128x64xf32, #tpu.memory_space<vmem>>, vector<1x16xf32>,
        %swap3A_479 = vector.shape_cast %swap3A_478 : vector<1x16xf32> to vector<16xf32>
        %swap3A_480 = vector.shape_cast %get3A_166 : vector<16xf32> to vector<1x16xf32>
        tpu.vector_store %arg7[%swap3A_476, %swap3A_477], %swap3A_480 {strides = array<i32>} : memref<128x64xf32, #tpu.memory_space<vmem>>, vector<1x16xf32>,
        %scan3A_481 = arith.constant 8 : i32
        %scan3A_482 = arith.addi %scan3A_275, %scan3A_481 : i32
        %mul3A_483 = arith.constant 1 : i32
        %mul3A_484 = arith.muli %scan3A_482, %mul3A_483 : i32
        %add3A_485 = arith.constant 0 : i32
        %add3A_486 = arith.addi %add3A_485, %mul3A_484 : i32
        %swap3A_487 = arith.index_cast %add3A_486 : i32 to index
        %swap3A_488 = arith.constant 0 : index
        %swap3A_489 = tpu.vector_load %arg7[%swap3A_487, %swap3A_488] {strides = array<i32>} : memref<128x64xf32, #tpu.memory_space<vmem>>, vector<1x16xf32>,
        %swap3A_490 = vector.shape_cast %swap3A_489 : vector<1x16xf32> to vector<16xf32>
        %swap3A_491 = vector.shape_cast %get3A_154 : vector<16xf32> to vector<1x16xf32>
        tpu.vector_store %arg7[%swap3A_487, %swap3A_488], %swap3A_491 {strides = array<i32>} : memref<128x64xf32, #tpu.memory_space<vmem>>, vector<1x16xf32>,
        %swap3A_492 = arith.index_cast %add3A_486 : i32 to index
        %swap3A_493 = arith.constant 16 : index
        %swap3A_494 = tpu.vector_load %arg7[%swap3A_492, %swap3A_493] {strides = array<i32>} : memref<128x64xf32, #tpu.memory_space<vmem>>, vector<1x16xf32>,
        %swap3A_495 = vector.shape_cast %swap3A_494 : vector<1x16xf32> to vector<16xf32>
        %swap3A_496 = vector.shape_cast %get3A_158 : vector<16xf32> to vector<1x16xf32>
        tpu.vector_store %arg7[%swap3A_492, %swap3A_493], %swap3A_496 {strides = array<i32>} : memref<128x64xf32, #tpu.memory_space<vmem>>, vector<1x16xf32>,
        %swap3A_497 = arith.index_cast %add3A_486 : i32 to index
        %swap3A_498 = arith.constant 32 : index
        %swap3A_499 = tpu.vector_load %arg7[%swap3A_497, %swap3A_498] {strides = array<i32>} : memref<128x64xf32, #tpu.memory_space<vmem>>, vector<1x16xf32>,
        %swap3A_500 = vector.shape_cast %swap3A_499 : vector<1x16xf32> to vector<16xf32>
        %swap3A_501 = vector.shape_cast %get3A_162 : vector<16xf32> to vector<1x16xf32>
        tpu.vector_store %arg7[%swap3A_497, %swap3A_498], %swap3A_501 {strides = array<i32>} : memref<128x64xf32, #tpu.memory_space<vmem>>, vector<1x16xf32>,
        %swap3A_502 = arith.index_cast %add3A_486 : i32 to index
        %swap3A_503 = arith.constant 48 : index
        %swap3A_504 = tpu.vector_load %arg7[%swap3A_502, %swap3A_503] {strides = array<i32>} : memref<128x64xf32, #tpu.memory_space<vmem>>, vector<1x16xf32>,
        %swap3A_505 = vector.shape_cast %swap3A_504 : vector<1x16xf32> to vector<16xf32>
        %swap3A_506 = vector.shape_cast %get3A_166 : vector<16xf32> to vector<1x16xf32>
        tpu.vector_store %arg7[%swap3A_502, %swap3A_503], %swap3A_506 {strides = array<i32>} : memref<128x64xf32, #tpu.memory_space<vmem>>, vector<1x16xf32>,
        %scan3A_507 = arith.constant 9 : i32
        %scan3A_508 = arith.addi %scan3A_275, %scan3A_507 : i32
        %mul3A_509 = arith.constant 1 : i32
        %mul3A_510 = arith.muli %scan3A_508, %mul3A_509 : i32
        %add3A_511 = arith.constant 0 : i32
        %add3A_512 = arith.addi %add3A_511, %mul3A_510 : i32
        %swap3A_513 = arith.index_cast %add3A_512 : i32 to index
        %swap3A_514 = arith.constant 0 : index
        %swap3A_515 = tpu.vector_load %arg7[%swap3A_513, %swap3A_514] {strides = array<i32>} : memref<128x64xf32, #tpu.memory_space<vmem>>, vector<1x16xf32>,
        %swap3A_516 = vector.shape_cast %swap3A_515 : vector<1x16xf32> to vector<16xf32>
        %swap3A_517 = vector.shape_cast %get3A_154 : vector<16xf32> to vector<1x16xf32>
        tpu.vector_store %arg7[%swap3A_513, %swap3A_514], %swap3A_517 {strides = array<i32>} : memref<128x64xf32, #tpu.memory_space<vmem>>, vector<1x16xf32>,
        %swap3A_518 = arith.index_cast %add3A_512 : i32 to index
        %swap3A_519 = arith.constant 16 : index
        %swap3A_520 = tpu.vector_load %arg7[%swap3A_518, %swap3A_519] {strides = array<i32>} : memref<128x64xf32, #tpu.memory_space<vmem>>, vector<1x16xf32>,
        %swap3A_521 = vector.shape_cast %swap3A_520 : vector<1x16xf32> to vector<16xf32>
        %swap3A_522 = vector.shape_cast %get3A_158 : vector<16xf32> to vector<1x16xf32>
        tpu.vector_store %arg7[%swap3A_518, %swap3A_519], %swap3A_522 {strides = array<i32>} : memref<128x64xf32, #tpu.memory_space<vmem>>, vector<1x16xf32>,
        %swap3A_523 = arith.index_cast %add3A_512 : i32 to index
        %swap3A_524 = arith.constant 32 : index
        %swap3A_525 = tpu.vector_load %arg7[%swap3A_523, %swap3A_524] {strides = array<i32>} : memref<128x64xf32, #tpu.memory_space<vmem>>, vector<1x16xf32>,
        %swap3A_526 = vector.shape_cast %swap3A_525 : vector<1x16xf32> to vector<16xf32>
        %swap3A_527 = vector.shape_cast %get3A_162 : vector<16xf32> to vector<1x16xf32>
        tpu.vector_store %arg7[%swap3A_523, %swap3A_524], %swap3A_527 {strides = array<i32>} : memref<128x64xf32, #tpu.memory_space<vmem>>, vector<1x16xf32>,
        %swap3A_528 = arith.index_cast %add3A_512 : i32 to index
        %swap3A_529 = arith.constant 48 : index
        %swap3A_530 = tpu.vector_load %arg7[%swap3A_528, %swap3A_529] {strides = array<i32>} : memref<128x64xf32, #tpu.memory_space<vmem>>, vector<1x16xf32>,
        %swap3A_531 = vector.shape_cast %swap3A_530 : vector<1x16xf32> to vector<16xf32>
        %swap3A_532 = vector.shape_cast %get3A_166 : vector<16xf32> to vector<1x16xf32>
        tpu.vector_store %arg7[%swap3A_528, %swap3A_529], %swap3A_532 {strides = array<i32>} : memref<128x64xf32, #tpu.memory_space<vmem>>, vector<1x16xf32>,
        %scan3A_533 = arith.constant 10 : i32
        %scan3A_534 = arith.addi %scan3A_275, %scan3A_533 : i32
        %mul3A_535 = arith.constant 1 : i32
        %mul3A_536 = arith.muli %scan3A_534, %mul3A_535 : i32
        %add3A_537 = arith.constant 0 : i32
        %add3A_538 = arith.addi %add3A_537, %mul3A_536 : i32
        %swap3A_539 = arith.index_cast %add3A_538 : i32 to index
        %swap3A_540 = arith.constant 0 : index
        %swap3A_541 = tpu.vector_load %arg7[%swap3A_539, %swap3A_540] {strides = array<i32>} : memref<128x64xf32, #tpu.memory_space<vmem>>, vector<1x16xf32>,
        %swap3A_542 = vector.shape_cast %swap3A_541 : vector<1x16xf32> to vector<16xf32>
        %swap3A_543 = vector.shape_cast %get3A_154 : vector<16xf32> to vector<1x16xf32>
        tpu.vector_store %arg7[%swap3A_539, %swap3A_540], %swap3A_543 {strides = array<i32>} : memref<128x64xf32, #tpu.memory_space<vmem>>, vector<1x16xf32>,
        %swap3A_544 = arith.index_cast %add3A_538 : i32 to index
        %swap3A_545 = arith.constant 16 : index
        %swap3A_546 = tpu.vector_load %arg7[%swap3A_544, %swap3A_545] {strides = array<i32>} : memref<128x64xf32, #tpu.memory_space<vmem>>, vector<1x16xf32>,
        %swap3A_547 = vector.shape_cast %swap3A_546 : vector<1x16xf32> to vector<16xf32>
        %swap3A_548 = vector.shape_cast %get3A_158 : vector<16xf32> to vector<1x16xf32>
        tpu.vector_store %arg7[%swap3A_544, %swap3A_545], %swap3A_548 {strides = array<i32>} : memref<128x64xf32, #tpu.memory_space<vmem>>, vector<1x16xf32>,
        %swap3A_549 = arith.index_cast %add3A_538 : i32 to index
        %swap3A_550 = arith.constant 32 : index
        %swap3A_551 = tpu.vector_load %arg7[%swap3A_549, %swap3A_550] {strides = array<i32>} : memref<128x64xf32, #tpu.memory_space<vmem>>, vector<1x16xf32>,
        %swap3A_552 = vector.shape_cast %swap3A_551 : vector<1x16xf32> to vector<16xf32>
        %swap3A_553 = vector.shape_cast %get3A_162 : vector<16xf32> to vector<1x16xf32>
        tpu.vector_store %arg7[%swap3A_549, %swap3A_550], %swap3A_553 {strides = array<i32>} : memref<128x64xf32, #tpu.memory_space<vmem>>, vector<1x16xf32>,
        %swap3A_554 = arith.index_cast %add3A_538 : i32 to index
        %swap3A_555 = arith.constant 48 : index
        %swap3A_556 = tpu.vector_load %arg7[%swap3A_554, %swap3A_555] {strides = array<i32>} : memref<128x64xf32, #tpu.memory_space<vmem>>, vector<1x16xf32>,
        %swap3A_557 = vector.shape_cast %swap3A_556 : vector<1x16xf32> to vector<16xf32>
        %swap3A_558 = vector.shape_cast %get3A_166 : vector<16xf32> to vector<1x16xf32>
        tpu.vector_store %arg7[%swap3A_554, %swap3A_555], %swap3A_558 {strides = array<i32>} : memref<128x64xf32, #tpu.memory_space<vmem>>, vector<1x16xf32>,
        %scan3A_559 = arith.constant 11 : i32
        %scan3A_560 = arith.addi %scan3A_275, %scan3A_559 : i32
        %mul3A_561 = arith.constant 1 : i32
        %mul3A_562 = arith.muli %scan3A_560, %mul3A_561 : i32
        %add3A_563 = arith.constant 0 : i32
        %add3A_564 = arith.addi %add3A_563, %mul3A_562 : i32
        %swap3A_565 = arith.index_cast %add3A_564 : i32 to index
        %swap3A_566 = arith.constant 0 : index
        %swap3A_567 = tpu.vector_load %arg7[%swap3A_565, %swap3A_566] {strides = array<i32>} : memref<128x64xf32, #tpu.memory_space<vmem>>, vector<1x16xf32>,
        %swap3A_568 = vector.shape_cast %swap3A_567 : vector<1x16xf32> to vector<16xf32>
        %swap3A_569 = vector.shape_cast %get3A_154 : vector<16xf32> to vector<1x16xf32>
        tpu.vector_store %arg7[%swap3A_565, %swap3A_566], %swap3A_569 {strides = array<i32>} : memref<128x64xf32, #tpu.memory_space<vmem>>, vector<1x16xf32>,
        %swap3A_570 = arith.index_cast %add3A_564 : i32 to index
        %swap3A_571 = arith.constant 16 : index
        %swap3A_572 = tpu.vector_load %arg7[%swap3A_570, %swap3A_571] {strides = array<i32>} : memref<128x64xf32, #tpu.memory_space<vmem>>, vector<1x16xf32>,
        %swap3A_573 = vector.shape_cast %swap3A_572 : vector<1x16xf32> to vector<16xf32>
        %swap3A_574 = vector.shape_cast %get3A_158 : vector<16xf32> to vector<1x16xf32>
        tpu.vector_store %arg7[%swap3A_570, %swap3A_571], %swap3A_574 {strides = array<i32>} : memref<128x64xf32, #tpu.memory_space<vmem>>, vector<1x16xf32>,
        %swap3A_575 = arith.index_cast %add3A_564 : i32 to index
        %swap3A_576 = arith.constant 32 : index
        %swap3A_577 = tpu.vector_load %arg7[%swap3A_575, %swap3A_576] {strides = array<i32>} : memref<128x64xf32, #tpu.memory_space<vmem>>, vector<1x16xf32>,
        %swap3A_578 = vector.shape_cast %swap3A_577 : vector<1x16xf32> to vector<16xf32>
        %swap3A_579 = vector.shape_cast %get3A_162 : vector<16xf32> to vector<1x16xf32>
        tpu.vector_store %arg7[%swap3A_575, %swap3A_576], %swap3A_579 {strides = array<i32>} : memref<128x64xf32, #tpu.memory_space<vmem>>, vector<1x16xf32>,
        %swap3A_580 = arith.index_cast %add3A_564 : i32 to index
        %swap3A_581 = arith.constant 48 : index
        %swap3A_582 = tpu.vector_load %arg7[%swap3A_580, %swap3A_581] {strides = array<i32>} : memref<128x64xf32, #tpu.memory_space<vmem>>, vector<1x16xf32>,
        %swap3A_583 = vector.shape_cast %swap3A_582 : vector<1x16xf32> to vector<16xf32>
        %swap3A_584 = vector.shape_cast %get3A_166 : vector<16xf32> to vector<1x16xf32>
        tpu.vector_store %arg7[%swap3A_580, %swap3A_581], %swap3A_584 {strides = array<i32>} : memref<128x64xf32, #tpu.memory_space<vmem>>, vector<1x16xf32>,
        %scan3A_585 = arith.constant 12 : i32
        %scan3A_586 = arith.addi %scan3A_275, %scan3A_585 : i32
        %mul3A_587 = arith.constant 1 : i32
        %mul3A_588 = arith.muli %scan3A_586, %mul3A_587 : i32
        %add3A_589 = arith.constant 0 : i32
        %add3A_590 = arith.addi %add3A_589, %mul3A_588 : i32
        %swap3A_591 = arith.index_cast %add3A_590 : i32 to index
        %swap3A_592 = arith.constant 0 : index
        %swap3A_593 = tpu.vector_load %arg7[%swap3A_591, %swap3A_592] {strides = array<i32>} : memref<128x64xf32, #tpu.memory_space<vmem>>, vector<1x16xf32>,
        %swap3A_594 = vector.shape_cast %swap3A_593 : vector<1x16xf32> to vector<16xf32>
        %swap3A_595 = vector.shape_cast %get3A_154 : vector<16xf32> to vector<1x16xf32>
        tpu.vector_store %arg7[%swap3A_591, %swap3A_592], %swap3A_595 {strides = array<i32>} : memref<128x64xf32, #tpu.memory_space<vmem>>, vector<1x16xf32>,
        %swap3A_596 = arith.index_cast %add3A_590 : i32 to index
        %swap3A_597 = arith.constant 16 : index
        %swap3A_598 = tpu.vector_load %arg7[%swap3A_596, %swap3A_597] {strides = array<i32>} : memref<128x64xf32, #tpu.memory_space<vmem>>, vector<1x16xf32>,
        %swap3A_599 = vector.shape_cast %swap3A_598 : vector<1x16xf32> to vector<16xf32>
        %swap3A_600 = vector.shape_cast %get3A_158 : vector<16xf32> to vector<1x16xf32>
        tpu.vector_store %arg7[%swap3A_596, %swap3A_597], %swap3A_600 {strides = array<i32>} : memref<128x64xf32, #tpu.memory_space<vmem>>, vector<1x16xf32>,
        %swap3A_601 = arith.index_cast %add3A_590 : i32 to index
        %swap3A_602 = arith.constant 32 : index
        %swap3A_603 = tpu.vector_load %arg7[%swap3A_601, %swap3A_602] {strides = array<i32>} : memref<128x64xf32, #tpu.memory_space<vmem>>, vector<1x16xf32>,
        %swap3A_604 = vector.shape_cast %swap3A_603 : vector<1x16xf32> to vector<16xf32>
        %swap3A_605 = vector.shape_cast %get3A_162 : vector<16xf32> to vector<1x16xf32>
        tpu.vector_store %arg7[%swap3A_601, %swap3A_602], %swap3A_605 {strides = array<i32>} : memref<128x64xf32, #tpu.memory_space<vmem>>, vector<1x16xf32>,
        %swap3A_606 = arith.index_cast %add3A_590 : i32 to index
        %swap3A_607 = arith.constant 48 : index
        %swap3A_608 = tpu.vector_load %arg7[%swap3A_606, %swap3A_607] {strides = array<i32>} : memref<128x64xf32, #tpu.memory_space<vmem>>, vector<1x16xf32>,
        %swap3A_609 = vector.shape_cast %swap3A_608 : vector<1x16xf32> to vector<16xf32>
        %swap3A_610 = vector.shape_cast %get3A_166 : vector<16xf32> to vector<1x16xf32>
        tpu.vector_store %arg7[%swap3A_606, %swap3A_607], %swap3A_610 {strides = array<i32>} : memref<128x64xf32, #tpu.memory_space<vmem>>, vector<1x16xf32>,
        %scan3A_611 = arith.constant 13 : i32
        %scan3A_612 = arith.addi %scan3A_275, %scan3A_611 : i32
        %mul3A_613 = arith.constant 1 : i32
        %mul3A_614 = arith.muli %scan3A_612, %mul3A_613 : i32
        %add3A_615 = arith.constant 0 : i32
        %add3A_616 = arith.addi %add3A_615, %mul3A_614 : i32
        %swap3A_617 = arith.index_cast %add3A_616 : i32 to index
        %swap3A_618 = arith.constant 0 : index
        %swap3A_619 = tpu.vector_load %arg7[%swap3A_617, %swap3A_618] {strides = array<i32>} : memref<128x64xf32, #tpu.memory_space<vmem>>, vector<1x16xf32>,
        %swap3A_620 = vector.shape_cast %swap3A_619 : vector<1x16xf32> to vector<16xf32>
        %swap3A_621 = vector.shape_cast %get3A_154 : vector<16xf32> to vector<1x16xf32>
        tpu.vector_store %arg7[%swap3A_617, %swap3A_618], %swap3A_621 {strides = array<i32>} : memref<128x64xf32, #tpu.memory_space<vmem>>, vector<1x16xf32>,
        %swap3A_622 = arith.index_cast %add3A_616 : i32 to index
        %swap3A_623 = arith.constant 16 : index
        %swap3A_624 = tpu.vector_load %arg7[%swap3A_622, %swap3A_623] {strides = array<i32>} : memref<128x64xf32, #tpu.memory_space<vmem>>, vector<1x16xf32>,
        %swap3A_625 = vector.shape_cast %swap3A_624 : vector<1x16xf32> to vector<16xf32>
        %swap3A_626 = vector.shape_cast %get3A_158 : vector<16xf32> to vector<1x16xf32>
        tpu.vector_store %arg7[%swap3A_622, %swap3A_623], %swap3A_626 {strides = array<i32>} : memref<128x64xf32, #tpu.memory_space<vmem>>, vector<1x16xf32>,
        %swap3A_627 = arith.index_cast %add3A_616 : i32 to index
        %swap3A_628 = arith.constant 32 : index
        %swap3A_629 = tpu.vector_load %arg7[%swap3A_627, %swap3A_628] {strides = array<i32>} : memref<128x64xf32, #tpu.memory_space<vmem>>, vector<1x16xf32>,
        %swap3A_630 = vector.shape_cast %swap3A_629 : vector<1x16xf32> to vector<16xf32>
        %swap3A_631 = vector.shape_cast %get3A_162 : vector<16xf32> to vector<1x16xf32>
        tpu.vector_store %arg7[%swap3A_627, %swap3A_628], %swap3A_631 {strides = array<i32>} : memref<128x64xf32, #tpu.memory_space<vmem>>, vector<1x16xf32>,
        %swap3A_632 = arith.index_cast %add3A_616 : i32 to index
        %swap3A_633 = arith.constant 48 : index
        %swap3A_634 = tpu.vector_load %arg7[%swap3A_632, %swap3A_633] {strides = array<i32>} : memref<128x64xf32, #tpu.memory_space<vmem>>, vector<1x16xf32>,
        %swap3A_635 = vector.shape_cast %swap3A_634 : vector<1x16xf32> to vector<16xf32>
        %swap3A_636 = vector.shape_cast %get3A_166 : vector<16xf32> to vector<1x16xf32>
        tpu.vector_store %arg7[%swap3A_632, %swap3A_633], %swap3A_636 {strides = array<i32>} : memref<128x64xf32, #tpu.memory_space<vmem>>, vector<1x16xf32>,
        %scan3A_637 = arith.constant 14 : i32
        %scan3A_638 = arith.addi %scan3A_275, %scan3A_637 : i32
        %mul3A_639 = arith.constant 1 : i32
        %mul3A_640 = arith.muli %scan3A_638, %mul3A_639 : i32
        %add3A_641 = arith.constant 0 : i32
        %add3A_642 = arith.addi %add3A_641, %mul3A_640 : i32
        %swap3A_643 = arith.index_cast %add3A_642 : i32 to index
        %swap3A_644 = arith.constant 0 : index
        %swap3A_645 = tpu.vector_load %arg7[%swap3A_643, %swap3A_644] {strides = array<i32>} : memref<128x64xf32, #tpu.memory_space<vmem>>, vector<1x16xf32>,
        %swap3A_646 = vector.shape_cast %swap3A_645 : vector<1x16xf32> to vector<16xf32>
        %swap3A_647 = vector.shape_cast %get3A_154 : vector<16xf32> to vector<1x16xf32>
        tpu.vector_store %arg7[%swap3A_643, %swap3A_644], %swap3A_647 {strides = array<i32>} : memref<128x64xf32, #tpu.memory_space<vmem>>, vector<1x16xf32>,
        %swap3A_648 = arith.index_cast %add3A_642 : i32 to index
        %swap3A_649 = arith.constant 16 : index
        %swap3A_650 = tpu.vector_load %arg7[%swap3A_648, %swap3A_649] {strides = array<i32>} : memref<128x64xf32, #tpu.memory_space<vmem>>, vector<1x16xf32>,
        %swap3A_651 = vector.shape_cast %swap3A_650 : vector<1x16xf32> to vector<16xf32>
        %swap3A_652 = vector.shape_cast %get3A_158 : vector<16xf32> to vector<1x16xf32>
        tpu.vector_store %arg7[%swap3A_648, %swap3A_649], %swap3A_652 {strides = array<i32>} : memref<128x64xf32, #tpu.memory_space<vmem>>, vector<1x16xf32>,
        %swap3A_653 = arith.index_cast %add3A_642 : i32 to index
        %swap3A_654 = arith.constant 32 : index
        %swap3A_655 = tpu.vector_load %arg7[%swap3A_653, %swap3A_654] {strides = array<i32>} : memref<128x64xf32, #tpu.memory_space<vmem>>, vector<1x16xf32>,
        %swap3A_656 = vector.shape_cast %swap3A_655 : vector<1x16xf32> to vector<16xf32>
        %swap3A_657 = vector.shape_cast %get3A_162 : vector<16xf32> to vector<1x16xf32>
        tpu.vector_store %arg7[%swap3A_653, %swap3A_654], %swap3A_657 {strides = array<i32>} : memref<128x64xf32, #tpu.memory_space<vmem>>, vector<1x16xf32>,
        %swap3A_658 = arith.index_cast %add3A_642 : i32 to index
        %swap3A_659 = arith.constant 48 : index
        %swap3A_660 = tpu.vector_load %arg7[%swap3A_658, %swap3A_659] {strides = array<i32>} : memref<128x64xf32, #tpu.memory_space<vmem>>, vector<1x16xf32>,
        %swap3A_661 = vector.shape_cast %swap3A_660 : vector<1x16xf32> to vector<16xf32>
        %swap3A_662 = vector.shape_cast %get3A_166 : vector<16xf32> to vector<1x16xf32>
        tpu.vector_store %arg7[%swap3A_658, %swap3A_659], %swap3A_662 {strides = array<i32>} : memref<128x64xf32, #tpu.memory_space<vmem>>, vector<1x16xf32>,
        %scan3A_663 = arith.constant 15 : i32
        %scan3A_664 = arith.addi %scan3A_275, %scan3A_663 : i32
        %mul3A_665 = arith.constant 1 : i32
        %mul3A_666 = arith.muli %scan3A_664, %mul3A_665 : i32
        %add3A_667 = arith.constant 0 : i32
        %add3A_668 = arith.addi %add3A_667, %mul3A_666 : i32
        %swap3A_669 = arith.index_cast %add3A_668 : i32 to index
        %swap3A_670 = arith.constant 0 : index
        %swap3A_671 = tpu.vector_load %arg7[%swap3A_669, %swap3A_670] {strides = array<i32>} : memref<128x64xf32, #tpu.memory_space<vmem>>, vector<1x16xf32>,
        %swap3A_672 = vector.shape_cast %swap3A_671 : vector<1x16xf32> to vector<16xf32>
        %swap3A_673 = vector.shape_cast %get3A_154 : vector<16xf32> to vector<1x16xf32>
        tpu.vector_store %arg7[%swap3A_669, %swap3A_670], %swap3A_673 {strides = array<i32>} : memref<128x64xf32, #tpu.memory_space<vmem>>, vector<1x16xf32>,
        %swap3A_674 = arith.index_cast %add3A_668 : i32 to index
        %swap3A_675 = arith.constant 16 : index
        %swap3A_676 = tpu.vector_load %arg7[%swap3A_674, %swap3A_675] {strides = array<i32>} : memref<128x64xf32, #tpu.memory_space<vmem>>, vector<1x16xf32>,
        %swap3A_677 = vector.shape_cast %swap3A_676 : vector<1x16xf32> to vector<16xf32>
        %swap3A_678 = vector.shape_cast %get3A_158 : vector<16xf32> to vector<1x16xf32>
        tpu.vector_store %arg7[%swap3A_674, %swap3A_675], %swap3A_678 {strides = array<i32>} : memref<128x64xf32, #tpu.memory_space<vmem>>, vector<1x16xf32>,
        %swap3A_679 = arith.index_cast %add3A_668 : i32 to index
        %swap3A_680 = arith.constant 32 : index
        %swap3A_681 = tpu.vector_load %arg7[%swap3A_679, %swap3A_680] {strides = array<i32>} : memref<128x64xf32, #tpu.memory_space<vmem>>, vector<1x16xf32>,
        %swap3A_682 = vector.shape_cast %swap3A_681 : vector<1x16xf32> to vector<16xf32>
        %swap3A_683 = vector.shape_cast %get3A_162 : vector<16xf32> to vector<1x16xf32>
        tpu.vector_store %arg7[%swap3A_679, %swap3A_680], %swap3A_683 {strides = array<i32>} : memref<128x64xf32, #tpu.memory_space<vmem>>, vector<1x16xf32>,
        %swap3A_684 = arith.index_cast %add3A_668 : i32 to index
        %swap3A_685 = arith.constant 48 : index
        %swap3A_686 = tpu.vector_load %arg7[%swap3A_684, %swap3A_685] {strides = array<i32>} : memref<128x64xf32, #tpu.memory_space<vmem>>, vector<1x16xf32>,
        %swap3A_687 = vector.shape_cast %swap3A_686 : vector<1x16xf32> to vector<16xf32>
        %swap3A_688 = vector.shape_cast %get3A_166 : vector<16xf32> to vector<1x16xf32>
        tpu.vector_store %arg7[%swap3A_684, %swap3A_685], %swap3A_688 {strides = array<i32>} : memref<128x64xf32, #tpu.memory_space<vmem>>, vector<1x16xf32>,
      }
      %scan3A_171 = arith.constant 128 : i32
      %dma_start3A_172 = arith.constant 0 : i32
      %dma_start3A_173 = arith.constant 0 : i32
      %dma_start3A_174 = tpu.memref_slice %arg4[%select_n3A, %add3A_141, %dma_start3A_172, %dma_start3A_173] : memref<2x512x512x128xf32, #tpu.memory_space<hbm>> -> memref<1x1x128x64xf32, #tpu.memory_space<hbm>>
      %dma_start3A_175 = tpu.memref_squeeze %dma_start3A_174 : memref<1x1x128x64xf32, #tpu.memory_space<hbm>> -> memref<128x64xf32, #tpu.memory_space<hbm>>
      %dma_start3A_176 = arith.constant 0 : i32
      %dma_start3A_177 = arith.constant 0 : i32
      %dma_start3A_178 = tpu.memref_slice %arg4[%select_n3A, %add3A_141, %dma_start3A_176, %dma_start3A_177] : memref<2x512x512x128xf32, #tpu.memory_space<hbm>> -> memref<1x1x128x64xf32, #tpu.memory_space<hbm>>
      %dma_start3A_179 = tpu.memref_squeeze %dma_start3A_178 : memref<1x1x128x64xf32, #tpu.memory_space<hbm>> -> memref<128x64xf32, #tpu.memory_space<hbm>>
      tpu.enqueue_dma source(%arg7 : memref<128x64xf32, #tpu.memory_space<vmem>>) target(%dma_start3A_179 : memref<128x64xf32, #tpu.memory_space<hbm>>) target_semaphore(%arg9 : memref<!tpu.dma_semaphore, #tpu.memory_space<semaphore_mem>>)
      %dma_start3A_180 = arith.constant 128 : i32
      %dma_start3A_181 = arith.constant 0 : i32
      %dma_start3A_182 = tpu.memref_slice %arg4[%select_n3A, %add3A_141, %dma_start3A_180, %dma_start3A_181] : memref<2x512x512x128xf32, #tpu.memory_space<hbm>> -> memref<1x1x128x64xf32, #tpu.memory_space<hbm>>
      %dma_start3A_183 = tpu.memref_squeeze %dma_start3A_182 : memref<1x1x128x64xf32, #tpu.memory_space<hbm>> -> memref<128x64xf32, #tpu.memory_space<hbm>>
      %dma_start3A_184 = arith.constant 128 : i32
      %dma_start3A_185 = arith.constant 0 : i32
      %dma_start3A_186 = tpu.memref_slice %arg4[%select_n3A, %add3A_141, %dma_start3A_184, %dma_start3A_185] : memref<2x512x512x128xf32, #tpu.memory_space<hbm>> -> memref<1x1x128x64xf32, #tpu.memory_space<hbm>>
      %dma_start3A_187 = tpu.memref_squeeze %dma_start3A_186 : memref<1x1x128x64xf32, #tpu.memory_space<hbm>> -> memref<128x64xf32, #tpu.memory_space<hbm>>
      tpu.enqueue_dma source(%arg7 : memref<128x64xf32, #tpu.memory_space<vmem>>) target(%dma_start3A_187 : memref<128x64xf32, #tpu.memory_space<hbm>>) target_semaphore(%arg9 : memref<!tpu.dma_semaphore, #tpu.memory_space<semaphore_mem>>)
      %dma_start3A_188 = arith.constant 256 : i32
      %dma_start3A_189 = arith.constant 0 : i32
      %dma_start3A_190 = tpu.memref_slice %arg4[%select_n3A, %add3A_141, %dma_start3A_188, %dma_start3A_189] : memref<2x512x512x128xf32, #tpu.memory_space<hbm>> -> memref<1x1x128x64xf32, #tpu.memory_space<hbm>>
      %dma_start3A_191 = tpu.memref_squeeze %dma_start3A_190 : memref<1x1x128x64xf32, #tpu.memory_space<hbm>> -> memref<128x64xf32, #tpu.memory_space<hbm>>
      %dma_start3A_192 = arith.constant 256 : i32
      %dma_start3A_193 = arith.constant 0 : i32
      %dma_start3A_194 = tpu.memref_slice %arg4[%select_n3A, %add3A_141, %dma_start3A_192, %dma_start3A_193] : memref<2x512x512x128xf32, #tpu.memory_space<hbm>> -> memref<1x1x128x64xf32, #tpu.memory_space<hbm>>
      %dma_start3A_195 = tpu.memref_squeeze %dma_start3A_194 : memref<1x1x128x64xf32, #tpu.memory_space<hbm>> -> memref<128x64xf32, #tpu.memory_space<hbm>>
      tpu.enqueue_dma source(%arg7 : memref<128x64xf32, #tpu.memory_space<vmem>>) target(%dma_start3A_195 : memref<128x64xf32, #tpu.memory_space<hbm>>) target_semaphore(%arg9 : memref<!tpu.dma_semaphore, #tpu.memory_space<semaphore_mem>>)
      %dma_start3A_196 = arith.constant 384 : i32
      %dma_start3A_197 = arith.constant 0 : i32
      %dma_start3A_198 = tpu.memref_slice %arg4[%select_n3A, %add3A_141, %dma_start3A_196, %dma_start3A_197] : memref<2x512x512x128xf32, #tpu.memory_space<hbm>> -> memref<1x1x128x64xf32, #tpu.memory_space<hbm>>
      %dma_start3A_199 = tpu.memref_squeeze %dma_start3A_198 : memref<1x1x128x64xf32, #tpu.memory_space<hbm>> -> memref<128x64xf32, #tpu.memory_space<hbm>>
      %dma_start3A_200 = arith.constant 384 : i32
      %dma_start3A_201 = arith.constant 0 : i32
      %dma_start3A_202 = tpu.memref_slice %arg4[%select_n3A, %add3A_141, %dma_start3A_200, %dma_start3A_201] : memref<2x512x512x128xf32, #tpu.memory_space<hbm>> -> memref<1x1x128x64xf32, #tpu.memory_space<hbm>>
      %dma_start3A_203 = tpu.memref_squeeze %dma_start3A_202 : memref<1x1x128x64xf32, #tpu.memory_space<hbm>> -> memref<128x64xf32, #tpu.memory_space<hbm>>
      tpu.enqueue_dma source(%arg7 : memref<128x64xf32, #tpu.memory_space<vmem>>) target(%dma_start3A_203 : memref<128x64xf32, #tpu.memory_space<hbm>>) target_semaphore(%arg9 : memref<!tpu.dma_semaphore, #tpu.memory_space<semaphore_mem>>)
      %mul3A_204 = arith.constant 2 : i32
      %mul3A_205 = arith.muli %mul3A_204, %add3A_136 : i32
      %add3A_206 = arith.constant 1 : i32
      %add3A_207 = arith.addi %mul3A_205, %add3A_206 : i32
      %add3A_208 = arith.addi %mul3A_32, %add3A_207 : i32
      %dma_start3A_209 = arith.constant 0 : i32
      %dma_start3A_210 = arith.constant 64 : i32
      %dma_start3A_211 = tpu.memref_slice %arg4[%select_n3A, %add3A_208, %dma_start3A_209, %dma_start3A_210] : memref<2x512x512x128xf32, #tpu.memory_space<hbm>> -> memref<1x1x512x64xf32, #tpu.memory_space<hbm>>
      %dma_start3A_212 = tpu.memref_squeeze %dma_start3A_211 : memref<1x1x512x64xf32, #tpu.memory_space<hbm>> -> memref<512x64xf32, #tpu.memory_space<hbm>>
      %dma_start3A_213 = arith.constant 0 : i32
      %dma_start3A_214 = arith.constant 64 : i32
      %dma_start3A_215 = tpu.memref_slice %arg4[%select_n3A, %add3A_208, %dma_start3A_213, %dma_start3A_214] : memref<2x512x512x128xf32, #tpu.memory_space<hbm>> -> memref<1x1x512x64xf32, #tpu.memory_space<hbm>>
      %dma_start3A_216 = tpu.memref_squeeze %dma_start3A_215 : memref<1x1x512x64xf32, #tpu.memory_space<hbm>> -> memref<512x64xf32, #tpu.memory_space<hbm>>
      tpu.enqueue_dma source(%arg6 : memref<512x64xf32, #tpu.memory_space<vmem>>) target(%dma_start3A_216 : memref<512x64xf32, #tpu.memory_space<hbm>>) target_semaphore(%arg11 : memref<!tpu.dma_semaphore, #tpu.memory_space<semaphore_mem>>)
      %gt3A_217 = arith.constant 0 : i32
      %gt3A_218 = arith.cmpi sgt, %add3A_136, %gt3A_217 : i32
      %convert_element_type3A_219 = arith.extui %gt3A_218 : i1 to i32
      %cond3A_220 = arith.constant 0 : i32
      %cond3A_221 = arith.cmpi ne, %convert_element_type3A_219, %cond3A_220 : i32
      scf.if %cond3A_221 {
        %dma_wait3A_275 = arith.constant 0 : i32
        %dma_wait3A_276 = arith.constant 0 : i32
        %dma_wait3A_277 = tpu.memref_slice %arg4[%select_n3A, %add3A_208, %dma_wait3A_275, %dma_wait3A_276] : memref<2x512x512x128xf32, #tpu.memory_space<hbm>> -> memref<1x1x128x64xf32, #tpu.memory_space<hbm>>
        %dma_wait3A_278 = tpu.memref_squeeze %dma_wait3A_277 : memref<1x1x128x64xf32, #tpu.memory_space<hbm>> -> memref<128x64xf32, #tpu.memory_space<hbm>>
        %dma_wait3A_279 = arith.constant 0 : i32
        %dma_wait3A_280 = arith.constant 0 : i32
        %dma_wait3A_281 = tpu.memref_slice %arg4[%select_n3A, %add3A_208, %dma_wait3A_279, %dma_wait3A_280] : memref<2x512x512x128xf32, #tpu.memory_space<hbm>> -> memref<1x1x128x64xf32, #tpu.memory_space<hbm>>
        %dma_wait3A_282 = tpu.memref_squeeze %dma_wait3A_281 : memref<1x1x128x64xf32, #tpu.memory_space<hbm>> -> memref<128x64xf32, #tpu.memory_space<hbm>>
        tpu.wait_dma2 semaphore(%arg10 : memref<!tpu.dma_semaphore, #tpu.memory_space<semaphore_mem>>) src(%arg8 : memref<128x64xf32, #tpu.memory_space<vmem>>) dst(%dma_wait3A_282 : memref<128x64xf32, #tpu.memory_space<hbm>>)
        %dma_wait3A_283 = arith.constant 128 : i32
        %dma_wait3A_284 = arith.constant 0 : i32
        %dma_wait3A_285 = tpu.memref_slice %arg4[%select_n3A, %add3A_208, %dma_wait3A_283, %dma_wait3A_284] : memref<2x512x512x128xf32, #tpu.memory_space<hbm>> -> memref<1x1x128x64xf32, #tpu.memory_space<hbm>>
        %dma_wait3A_286 = tpu.memref_squeeze %dma_wait3A_285 : memref<1x1x128x64xf32, #tpu.memory_space<hbm>> -> memref<128x64xf32, #tpu.memory_space<hbm>>
        %dma_wait3A_287 = arith.constant 128 : i32
        %dma_wait3A_288 = arith.constant 0 : i32
        %dma_wait3A_289 = tpu.memref_slice %arg4[%select_n3A, %add3A_208, %dma_wait3A_287, %dma_wait3A_288] : memref<2x512x512x128xf32, #tpu.memory_space<hbm>> -> memref<1x1x128x64xf32, #tpu.memory_space<hbm>>
        %dma_wait3A_290 = tpu.memref_squeeze %dma_wait3A_289 : memref<1x1x128x64xf32, #tpu.memory_space<hbm>> -> memref<128x64xf32, #tpu.memory_space<hbm>>
        tpu.wait_dma2 semaphore(%arg10 : memref<!tpu.dma_semaphore, #tpu.memory_space<semaphore_mem>>) src(%arg8 : memref<128x64xf32, #tpu.memory_space<vmem>>) dst(%dma_wait3A_290 : memref<128x64xf32, #tpu.memory_space<hbm>>)
        %dma_wait3A_291 = arith.constant 256 : i32
        %dma_wait3A_292 = arith.constant 0 : i32
        %dma_wait3A_293 = tpu.memref_slice %arg4[%select_n3A, %add3A_208, %dma_wait3A_291, %dma_wait3A_292] : memref<2x512x512x128xf32, #tpu.memory_space<hbm>> -> memref<1x1x128x64xf32, #tpu.memory_space<hbm>>
        %dma_wait3A_294 = tpu.memref_squeeze %dma_wait3A_293 : memref<1x1x128x64xf32, #tpu.memory_space<hbm>> -> memref<128x64xf32, #tpu.memory_space<hbm>>
        %dma_wait3A_295 = arith.constant 256 : i32
        %dma_wait3A_296 = arith.constant 0 : i32
        %dma_wait3A_297 = tpu.memref_slice %arg4[%select_n3A, %add3A_208, %dma_wait3A_295, %dma_wait3A_296] : memref<2x512x512x128xf32, #tpu.memory_space<hbm>> -> memref<1x1x128x64xf32, #tpu.memory_space<hbm>>
        %dma_wait3A_298 = tpu.memref_squeeze %dma_wait3A_297 : memref<1x1x128x64xf32, #tpu.memory_space<hbm>> -> memref<128x64xf32, #tpu.memory_space<hbm>>
        tpu.wait_dma2 semaphore(%arg10 : memref<!tpu.dma_semaphore, #tpu.memory_space<semaphore_mem>>) src(%arg8 : memref<128x64xf32, #tpu.memory_space<vmem>>) dst(%dma_wait3A_298 : memref<128x64xf32, #tpu.memory_space<hbm>>)
        %dma_wait3A_299 = arith.constant 384 : i32
        %dma_wait3A_300 = arith.constant 0 : i32
        %dma_wait3A_301 = tpu.memref_slice %arg4[%select_n3A, %add3A_208, %dma_wait3A_299, %dma_wait3A_300] : memref<2x512x512x128xf32, #tpu.memory_space<hbm>> -> memref<1x1x128x64xf32, #tpu.memory_space<hbm>>
        %dma_wait3A_302 = tpu.memref_squeeze %dma_wait3A_301 : memref<1x1x128x64xf32, #tpu.memory_space<hbm>> -> memref<128x64xf32, #tpu.memory_space<hbm>>
        %dma_wait3A_303 = arith.constant 384 : i32
        %dma_wait3A_304 = arith.constant 0 : i32
        %dma_wait3A_305 = tpu.memref_slice %arg4[%select_n3A, %add3A_208, %dma_wait3A_303, %dma_wait3A_304] : memref<2x512x512x128xf32, #tpu.memory_space<hbm>> -> memref<1x1x128x64xf32, #tpu.memory_space<hbm>>
        %dma_wait3A_306 = tpu.memref_squeeze %dma_wait3A_305 : memref<1x1x128x64xf32, #tpu.memory_space<hbm>> -> memref<128x64xf32, #tpu.memory_space<hbm>>
        tpu.wait_dma2 semaphore(%arg10 : memref<!tpu.dma_semaphore, #tpu.memory_space<semaphore_mem>>) src(%arg8 : memref<128x64xf32, #tpu.memory_space<vmem>>) dst(%dma_wait3A_306 : memref<128x64xf32, #tpu.memory_space<hbm>>)
      } else {
      }
      %get3A_222 = arith.index_cast %add3A_207 : i32 to index
      %get3A_223 = arith.constant 0 : index
      %get3A_224 = tpu.vector_load %arg5[%get3A_222, %get3A_223] {strides = array<i32>} : memref<32x64xf32, #tpu.memory_space<vmem>>, vector<1x16xf32>,
      %get3A_225 = vector.shape_cast %get3A_224 : vector<1x16xf32> to vector<16xf32>
      %get3A_226 = arith.index_cast %add3A_207 : i32 to index
      %get3A_227 = arith.constant 16 : index
      %get3A_228 = tpu.vector_load %arg5[%get3A_226, %get3A_227] {strides = array<i32>} : memref<32x64xf32, #tpu.memory_space<vmem>>, vector<1x16xf32>,
      %get3A_229 = vector.shape_cast %get3A_228 : vector<1x16xf32> to vector<16xf32>
      %get3A_230 = arith.index_cast %add3A_207 : i32 to index
      %get3A_231 = arith.constant 32 : index
      %get3A_232 = tpu.vector_load %arg5[%get3A_230, %get3A_231] {strides = array<i32>} : memref<32x64xf32, #tpu.memory_space<vmem>>, vector<1x16xf32>,
      %get3A_233 = vector.shape_cast %get3A_232 : vector<1x16xf32> to vector<16xf32>
      %get3A_234 = arith.index_cast %add3A_207 : i32 to index
      %get3A_235 = arith.constant 48 : index
      %get3A_236 = tpu.vector_load %arg5[%get3A_234, %get3A_235] {strides = array<i32>} : memref<32x64xf32, #tpu.memory_space<vmem>>, vector<1x16xf32>,
      %get3A_237 = vector.shape_cast %get3A_236 : vector<1x16xf32> to vector<16xf32>
      %scan3A_238 = arith.constant 0 : i32
      %scan3A_239 = arith.constant 128 : i32
      %scan3A_240 = arith.addi %scan3A_238, %scan3A_239 : i32
      %scan3A_241 = arith.constant 16 : i32
      scf.for %scan3A_275 = %scan3A_238 to %scan3A_240 step %scan3A_241  : i32 {
        %mul3A_276 = arith.constant 1 : i32
        %mul3A_277 = arith.muli %scan3A_275, %mul3A_276 : i32
        %add3A_278 = arith.constant 0 : i32
        %add3A_279 = arith.addi %add3A_278, %mul3A_277 : i32
        %swap3A = arith.index_cast %add3A_279 : i32 to index
        %swap3A_280 = arith.constant 0 : index
        %swap3A_281 = tpu.vector_load %arg8[%swap3A, %swap3A_280] {strides = array<i32>} : memref<128x64xf32, #tpu.memory_space<vmem>>, vector<1x16xf32>,
        %swap3A_282 = vector.shape_cast %swap3A_281 : vector<1x16xf32> to vector<16xf32>
        %swap3A_283 = vector.shape_cast %get3A_225 : vector<16xf32> to vector<1x16xf32>
        tpu.vector_store %arg8[%swap3A, %swap3A_280], %swap3A_283 {strides = array<i32>} : memref<128x64xf32, #tpu.memory_space<vmem>>, vector<1x16xf32>,
        %swap3A_284 = arith.index_cast %add3A_279 : i32 to index
        %swap3A_285 = arith.constant 16 : index
        %swap3A_286 = tpu.vector_load %arg8[%swap3A_284, %swap3A_285] {strides = array<i32>} : memref<128x64xf32, #tpu.memory_space<vmem>>, vector<1x16xf32>,
        %swap3A_287 = vector.shape_cast %swap3A_286 : vector<1x16xf32> to vector<16xf32>
        %swap3A_288 = vector.shape_cast %get3A_229 : vector<16xf32> to vector<1x16xf32>
        tpu.vector_store %arg8[%swap3A_284, %swap3A_285], %swap3A_288 {strides = array<i32>} : memref<128x64xf32, #tpu.memory_space<vmem>>, vector<1x16xf32>,
        %swap3A_289 = arith.index_cast %add3A_279 : i32 to index
        %swap3A_290 = arith.constant 32 : index
        %swap3A_291 = tpu.vector_load %arg8[%swap3A_289, %swap3A_290] {strides = array<i32>} : memref<128x64xf32, #tpu.memory_space<vmem>>, vector<1x16xf32>,
        %swap3A_292 = vector.shape_cast %swap3A_291 : vector<1x16xf32> to vector<16xf32>
        %swap3A_293 = vector.shape_cast %get3A_233 : vector<16xf32> to vector<1x16xf32>
        tpu.vector_store %arg8[%swap3A_289, %swap3A_290], %swap3A_293 {strides = array<i32>} : memref<128x64xf32, #tpu.memory_space<vmem>>, vector<1x16xf32>,
        %swap3A_294 = arith.index_cast %add3A_279 : i32 to index
        %swap3A_295 = arith.constant 48 : index
        %swap3A_296 = tpu.vector_load %arg8[%swap3A_294, %swap3A_295] {strides = array<i32>} : memref<128x64xf32, #tpu.memory_space<vmem>>, vector<1x16xf32>,
        %swap3A_297 = vector.shape_cast %swap3A_296 : vector<1x16xf32> to vector<16xf32>
        %swap3A_298 = vector.shape_cast %get3A_237 : vector<16xf32> to vector<1x16xf32>
        tpu.vector_store %arg8[%swap3A_294, %swap3A_295], %swap3A_298 {strides = array<i32>} : memref<128x64xf32, #tpu.memory_space<vmem>>, vector<1x16xf32>,
        %scan3A_299 = arith.constant 1 : i32
        %scan3A_300 = arith.addi %scan3A_275, %scan3A_299 : i32
        %mul3A_301 = arith.constant 1 : i32
        %mul3A_302 = arith.muli %scan3A_300, %mul3A_301 : i32
        %add3A_303 = arith.constant 0 : i32
        %add3A_304 = arith.addi %add3A_303, %mul3A_302 : i32
        %swap3A_305 = arith.index_cast %add3A_304 : i32 to index
        %swap3A_306 = arith.constant 0 : index
        %swap3A_307 = tpu.vector_load %arg8[%swap3A_305, %swap3A_306] {strides = array<i32>} : memref<128x64xf32, #tpu.memory_space<vmem>>, vector<1x16xf32>,
        %swap3A_308 = vector.shape_cast %swap3A_307 : vector<1x16xf32> to vector<16xf32>
        %swap3A_309 = vector.shape_cast %get3A_225 : vector<16xf32> to vector<1x16xf32>
        tpu.vector_store %arg8[%swap3A_305, %swap3A_306], %swap3A_309 {strides = array<i32>} : memref<128x64xf32, #tpu.memory_space<vmem>>, vector<1x16xf32>,
        %swap3A_310 = arith.index_cast %add3A_304 : i32 to index
        %swap3A_311 = arith.constant 16 : index
        %swap3A_312 = tpu.vector_load %arg8[%swap3A_310, %swap3A_311] {strides = array<i32>} : memref<128x64xf32, #tpu.memory_space<vmem>>, vector<1x16xf32>,
        %swap3A_313 = vector.shape_cast %swap3A_312 : vector<1x16xf32> to vector<16xf32>
        %swap3A_314 = vector.shape_cast %get3A_229 : vector<16xf32> to vector<1x16xf32>
        tpu.vector_store %arg8[%swap3A_310, %swap3A_311], %swap3A_314 {strides = array<i32>} : memref<128x64xf32, #tpu.memory_space<vmem>>, vector<1x16xf32>,
        %swap3A_315 = arith.index_cast %add3A_304 : i32 to index
        %swap3A_316 = arith.constant 32 : index
        %swap3A_317 = tpu.vector_load %arg8[%swap3A_315, %swap3A_316] {strides = array<i32>} : memref<128x64xf32, #tpu.memory_space<vmem>>, vector<1x16xf32>,
        %swap3A_318 = vector.shape_cast %swap3A_317 : vector<1x16xf32> to vector<16xf32>
        %swap3A_319 = vector.shape_cast %get3A_233 : vector<16xf32> to vector<1x16xf32>
        tpu.vector_store %arg8[%swap3A_315, %swap3A_316], %swap3A_319 {strides = array<i32>} : memref<128x64xf32, #tpu.memory_space<vmem>>, vector<1x16xf32>,
        %swap3A_320 = arith.index_cast %add3A_304 : i32 to index
        %swap3A_321 = arith.constant 48 : index
        %swap3A_322 = tpu.vector_load %arg8[%swap3A_320, %swap3A_321] {strides = array<i32>} : memref<128x64xf32, #tpu.memory_space<vmem>>, vector<1x16xf32>,
        %swap3A_323 = vector.shape_cast %swap3A_322 : vector<1x16xf32> to vector<16xf32>
        %swap3A_324 = vector.shape_cast %get3A_237 : vector<16xf32> to vector<1x16xf32>
        tpu.vector_store %arg8[%swap3A_320, %swap3A_321], %swap3A_324 {strides = array<i32>} : memref<128x64xf32, #tpu.memory_space<vmem>>, vector<1x16xf32>,
        %scan3A_325 = arith.constant 2 : i32
        %scan3A_326 = arith.addi %scan3A_275, %scan3A_325 : i32
        %mul3A_327 = arith.constant 1 : i32
        %mul3A_328 = arith.muli %scan3A_326, %mul3A_327 : i32
        %add3A_329 = arith.constant 0 : i32
        %add3A_330 = arith.addi %add3A_329, %mul3A_328 : i32
        %swap3A_331 = arith.index_cast %add3A_330 : i32 to index
        %swap3A_332 = arith.constant 0 : index
        %swap3A_333 = tpu.vector_load %arg8[%swap3A_331, %swap3A_332] {strides = array<i32>} : memref<128x64xf32, #tpu.memory_space<vmem>>, vector<1x16xf32>,
        %swap3A_334 = vector.shape_cast %swap3A_333 : vector<1x16xf32> to vector<16xf32>
        %swap3A_335 = vector.shape_cast %get3A_225 : vector<16xf32> to vector<1x16xf32>
        tpu.vector_store %arg8[%swap3A_331, %swap3A_332], %swap3A_335 {strides = array<i32>} : memref<128x64xf32, #tpu.memory_space<vmem>>, vector<1x16xf32>,
        %swap3A_336 = arith.index_cast %add3A_330 : i32 to index
        %swap3A_337 = arith.constant 16 : index
        %swap3A_338 = tpu.vector_load %arg8[%swap3A_336, %swap3A_337] {strides = array<i32>} : memref<128x64xf32, #tpu.memory_space<vmem>>, vector<1x16xf32>,
        %swap3A_339 = vector.shape_cast %swap3A_338 : vector<1x16xf32> to vector<16xf32>
        %swap3A_340 = vector.shape_cast %get3A_229 : vector<16xf32> to vector<1x16xf32>
        tpu.vector_store %arg8[%swap3A_336, %swap3A_337], %swap3A_340 {strides = array<i32>} : memref<128x64xf32, #tpu.memory_space<vmem>>, vector<1x16xf32>,
        %swap3A_341 = arith.index_cast %add3A_330 : i32 to index
        %swap3A_342 = arith.constant 32 : index
        %swap3A_343 = tpu.vector_load %arg8[%swap3A_341, %swap3A_342] {strides = array<i32>} : memref<128x64xf32, #tpu.memory_space<vmem>>, vector<1x16xf32>,
        %swap3A_344 = vector.shape_cast %swap3A_343 : vector<1x16xf32> to vector<16xf32>
        %swap3A_345 = vector.shape_cast %get3A_233 : vector<16xf32> to vector<1x16xf32>
        tpu.vector_store %arg8[%swap3A_341, %swap3A_342], %swap3A_345 {strides = array<i32>} : memref<128x64xf32, #tpu.memory_space<vmem>>, vector<1x16xf32>,
        %swap3A_346 = arith.index_cast %add3A_330 : i32 to index
        %swap3A_347 = arith.constant 48 : index
        %swap3A_348 = tpu.vector_load %arg8[%swap3A_346, %swap3A_347] {strides = array<i32>} : memref<128x64xf32, #tpu.memory_space<vmem>>, vector<1x16xf32>,
        %swap3A_349 = vector.shape_cast %swap3A_348 : vector<1x16xf32> to vector<16xf32>
        %swap3A_350 = vector.shape_cast %get3A_237 : vector<16xf32> to vector<1x16xf32>
        tpu.vector_store %arg8[%swap3A_346, %swap3A_347], %swap3A_350 {strides = array<i32>} : memref<128x64xf32, #tpu.memory_space<vmem>>, vector<1x16xf32>,
        %scan3A_351 = arith.constant 3 : i32
        %scan3A_352 = arith.addi %scan3A_275, %scan3A_351 : i32
        %mul3A_353 = arith.constant 1 : i32
        %mul3A_354 = arith.muli %scan3A_352, %mul3A_353 : i32
        %add3A_355 = arith.constant 0 : i32
        %add3A_356 = arith.addi %add3A_355, %mul3A_354 : i32
        %swap3A_357 = arith.index_cast %add3A_356 : i32 to index
        %swap3A_358 = arith.constant 0 : index
        %swap3A_359 = tpu.vector_load %arg8[%swap3A_357, %swap3A_358] {strides = array<i32>} : memref<128x64xf32, #tpu.memory_space<vmem>>, vector<1x16xf32>,
        %swap3A_360 = vector.shape_cast %swap3A_359 : vector<1x16xf32> to vector<16xf32>
        %swap3A_361 = vector.shape_cast %get3A_225 : vector<16xf32> to vector<1x16xf32>
        tpu.vector_store %arg8[%swap3A_357, %swap3A_358], %swap3A_361 {strides = array<i32>} : memref<128x64xf32, #tpu.memory_space<vmem>>, vector<1x16xf32>,
        %swap3A_362 = arith.index_cast %add3A_356 : i32 to index
        %swap3A_363 = arith.constant 16 : index
        %swap3A_364 = tpu.vector_load %arg8[%swap3A_362, %swap3A_363] {strides = array<i32>} : memref<128x64xf32, #tpu.memory_space<vmem>>, vector<1x16xf32>,
        %swap3A_365 = vector.shape_cast %swap3A_364 : vector<1x16xf32> to vector<16xf32>
        %swap3A_366 = vector.shape_cast %get3A_229 : vector<16xf32> to vector<1x16xf32>
        tpu.vector_store %arg8[%swap3A_362, %swap3A_363], %swap3A_366 {strides = array<i32>} : memref<128x64xf32, #tpu.memory_space<vmem>>, vector<1x16xf32>,
        %swap3A_367 = arith.index_cast %add3A_356 : i32 to index
        %swap3A_368 = arith.constant 32 : index
        %swap3A_369 = tpu.vector_load %arg8[%swap3A_367, %swap3A_368] {strides = array<i32>} : memref<128x64xf32, #tpu.memory_space<vmem>>, vector<1x16xf32>,
        %swap3A_370 = vector.shape_cast %swap3A_369 : vector<1x16xf32> to vector<16xf32>
        %swap3A_371 = vector.shape_cast %get3A_233 : vector<16xf32> to vector<1x16xf32>
        tpu.vector_store %arg8[%swap3A_367, %swap3A_368], %swap3A_371 {strides = array<i32>} : memref<128x64xf32, #tpu.memory_space<vmem>>, vector<1x16xf32>,
        %swap3A_372 = arith.index_cast %add3A_356 : i32 to index
        %swap3A_373 = arith.constant 48 : index
        %swap3A_374 = tpu.vector_load %arg8[%swap3A_372, %swap3A_373] {strides = array<i32>} : memref<128x64xf32, #tpu.memory_space<vmem>>, vector<1x16xf32>,
        %swap3A_375 = vector.shape_cast %swap3A_374 : vector<1x16xf32> to vector<16xf32>
        %swap3A_376 = vector.shape_cast %get3A_237 : vector<16xf32> to vector<1x16xf32>
        tpu.vector_store %arg8[%swap3A_372, %swap3A_373], %swap3A_376 {strides = array<i32>} : memref<128x64xf32, #tpu.memory_space<vmem>>, vector<1x16xf32>,
        %scan3A_377 = arith.constant 4 : i32
        %scan3A_378 = arith.addi %scan3A_275, %scan3A_377 : i32
        %mul3A_379 = arith.constant 1 : i32
        %mul3A_380 = arith.muli %scan3A_378, %mul3A_379 : i32
        %add3A_381 = arith.constant 0 : i32
        %add3A_382 = arith.addi %add3A_381, %mul3A_380 : i32
        %swap3A_383 = arith.index_cast %add3A_382 : i32 to index
        %swap3A_384 = arith.constant 0 : index
        %swap3A_385 = tpu.vector_load %arg8[%swap3A_383, %swap3A_384] {strides = array<i32>} : memref<128x64xf32, #tpu.memory_space<vmem>>, vector<1x16xf32>,
        %swap3A_386 = vector.shape_cast %swap3A_385 : vector<1x16xf32> to vector<16xf32>
        %swap3A_387 = vector.shape_cast %get3A_225 : vector<16xf32> to vector<1x16xf32>
        tpu.vector_store %arg8[%swap3A_383, %swap3A_384], %swap3A_387 {strides = array<i32>} : memref<128x64xf32, #tpu.memory_space<vmem>>, vector<1x16xf32>,
        %swap3A_388 = arith.index_cast %add3A_382 : i32 to index
        %swap3A_389 = arith.constant 16 : index
        %swap3A_390 = tpu.vector_load %arg8[%swap3A_388, %swap3A_389] {strides = array<i32>} : memref<128x64xf32, #tpu.memory_space<vmem>>, vector<1x16xf32>,
        %swap3A_391 = vector.shape_cast %swap3A_390 : vector<1x16xf32> to vector<16xf32>
        %swap3A_392 = vector.shape_cast %get3A_229 : vector<16xf32> to vector<1x16xf32>
        tpu.vector_store %arg8[%swap3A_388, %swap3A_389], %swap3A_392 {strides = array<i32>} : memref<128x64xf32, #tpu.memory_space<vmem>>, vector<1x16xf32>,
        %swap3A_393 = arith.index_cast %add3A_382 : i32 to index
        %swap3A_394 = arith.constant 32 : index
        %swap3A_395 = tpu.vector_load %arg8[%swap3A_393, %swap3A_394] {strides = array<i32>} : memref<128x64xf32, #tpu.memory_space<vmem>>, vector<1x16xf32>,
        %swap3A_396 = vector.shape_cast %swap3A_395 : vector<1x16xf32> to vector<16xf32>
        %swap3A_397 = vector.shape_cast %get3A_233 : vector<16xf32> to vector<1x16xf32>
        tpu.vector_store %arg8[%swap3A_393, %swap3A_394], %swap3A_397 {strides = array<i32>} : memref<128x64xf32, #tpu.memory_space<vmem>>, vector<1x16xf32>,
        %swap3A_398 = arith.index_cast %add3A_382 : i32 to index
        %swap3A_399 = arith.constant 48 : index
        %swap3A_400 = tpu.vector_load %arg8[%swap3A_398, %swap3A_399] {strides = array<i32>} : memref<128x64xf32, #tpu.memory_space<vmem>>, vector<1x16xf32>,
        %swap3A_401 = vector.shape_cast %swap3A_400 : vector<1x16xf32> to vector<16xf32>
        %swap3A_402 = vector.shape_cast %get3A_237 : vector<16xf32> to vector<1x16xf32>
        tpu.vector_store %arg8[%swap3A_398, %swap3A_399], %swap3A_402 {strides = array<i32>} : memref<128x64xf32, #tpu.memory_space<vmem>>, vector<1x16xf32>,
        %scan3A_403 = arith.constant 5 : i32
        %scan3A_404 = arith.addi %scan3A_275, %scan3A_403 : i32
        %mul3A_405 = arith.constant 1 : i32
        %mul3A_406 = arith.muli %scan3A_404, %mul3A_405 : i32
        %add3A_407 = arith.constant 0 : i32
        %add3A_408 = arith.addi %add3A_407, %mul3A_406 : i32
        %swap3A_409 = arith.index_cast %add3A_408 : i32 to index
        %swap3A_410 = arith.constant 0 : index
        %swap3A_411 = tpu.vector_load %arg8[%swap3A_409, %swap3A_410] {strides = array<i32>} : memref<128x64xf32, #tpu.memory_space<vmem>>, vector<1x16xf32>,
        %swap3A_412 = vector.shape_cast %swap3A_411 : vector<1x16xf32> to vector<16xf32>
        %swap3A_413 = vector.shape_cast %get3A_225 : vector<16xf32> to vector<1x16xf32>
        tpu.vector_store %arg8[%swap3A_409, %swap3A_410], %swap3A_413 {strides = array<i32>} : memref<128x64xf32, #tpu.memory_space<vmem>>, vector<1x16xf32>,
        %swap3A_414 = arith.index_cast %add3A_408 : i32 to index
        %swap3A_415 = arith.constant 16 : index
        %swap3A_416 = tpu.vector_load %arg8[%swap3A_414, %swap3A_415] {strides = array<i32>} : memref<128x64xf32, #tpu.memory_space<vmem>>, vector<1x16xf32>,
        %swap3A_417 = vector.shape_cast %swap3A_416 : vector<1x16xf32> to vector<16xf32>
        %swap3A_418 = vector.shape_cast %get3A_229 : vector<16xf32> to vector<1x16xf32>
        tpu.vector_store %arg8[%swap3A_414, %swap3A_415], %swap3A_418 {strides = array<i32>} : memref<128x64xf32, #tpu.memory_space<vmem>>, vector<1x16xf32>,
        %swap3A_419 = arith.index_cast %add3A_408 : i32 to index
        %swap3A_420 = arith.constant 32 : index
        %swap3A_421 = tpu.vector_load %arg8[%swap3A_419, %swap3A_420] {strides = array<i32>} : memref<128x64xf32, #tpu.memory_space<vmem>>, vector<1x16xf32>,
        %swap3A_422 = vector.shape_cast %swap3A_421 : vector<1x16xf32> to vector<16xf32>
        %swap3A_423 = vector.shape_cast %get3A_233 : vector<16xf32> to vector<1x16xf32>
        tpu.vector_store %arg8[%swap3A_419, %swap3A_420], %swap3A_423 {strides = array<i32>} : memref<128x64xf32, #tpu.memory_space<vmem>>, vector<1x16xf32>,
        %swap3A_424 = arith.index_cast %add3A_408 : i32 to index
        %swap3A_425 = arith.constant 48 : index
        %swap3A_426 = tpu.vector_load %arg8[%swap3A_424, %swap3A_425] {strides = array<i32>} : memref<128x64xf32, #tpu.memory_space<vmem>>, vector<1x16xf32>,
        %swap3A_427 = vector.shape_cast %swap3A_426 : vector<1x16xf32> to vector<16xf32>
        %swap3A_428 = vector.shape_cast %get3A_237 : vector<16xf32> to vector<1x16xf32>
        tpu.vector_store %arg8[%swap3A_424, %swap3A_425], %swap3A_428 {strides = array<i32>} : memref<128x64xf32, #tpu.memory_space<vmem>>, vector<1x16xf32>,
        %scan3A_429 = arith.constant 6 : i32
        %scan3A_430 = arith.addi %scan3A_275, %scan3A_429 : i32
        %mul3A_431 = arith.constant 1 : i32
        %mul3A_432 = arith.muli %scan3A_430, %mul3A_431 : i32
        %add3A_433 = arith.constant 0 : i32
        %add3A_434 = arith.addi %add3A_433, %mul3A_432 : i32
        %swap3A_435 = arith.index_cast %add3A_434 : i32 to index
        %swap3A_436 = arith.constant 0 : index
        %swap3A_437 = tpu.vector_load %arg8[%swap3A_435, %swap3A_436] {strides = array<i32>} : memref<128x64xf32, #tpu.memory_space<vmem>>, vector<1x16xf32>,
        %swap3A_438 = vector.shape_cast %swap3A_437 : vector<1x16xf32> to vector<16xf32>
        %swap3A_439 = vector.shape_cast %get3A_225 : vector<16xf32> to vector<1x16xf32>
        tpu.vector_store %arg8[%swap3A_435, %swap3A_436], %swap3A_439 {strides = array<i32>} : memref<128x64xf32, #tpu.memory_space<vmem>>, vector<1x16xf32>,
        %swap3A_440 = arith.index_cast %add3A_434 : i32 to index
        %swap3A_441 = arith.constant 16 : index
        %swap3A_442 = tpu.vector_load %arg8[%swap3A_440, %swap3A_441] {strides = array<i32>} : memref<128x64xf32, #tpu.memory_space<vmem>>, vector<1x16xf32>,
        %swap3A_443 = vector.shape_cast %swap3A_442 : vector<1x16xf32> to vector<16xf32>
        %swap3A_444 = vector.shape_cast %get3A_229 : vector<16xf32> to vector<1x16xf32>
        tpu.vector_store %arg8[%swap3A_440, %swap3A_441], %swap3A_444 {strides = array<i32>} : memref<128x64xf32, #tpu.memory_space<vmem>>, vector<1x16xf32>,
        %swap3A_445 = arith.index_cast %add3A_434 : i32 to index
        %swap3A_446 = arith.constant 32 : index
        %swap3A_447 = tpu.vector_load %arg8[%swap3A_445, %swap3A_446] {strides = array<i32>} : memref<128x64xf32, #tpu.memory_space<vmem>>, vector<1x16xf32>,
        %swap3A_448 = vector.shape_cast %swap3A_447 : vector<1x16xf32> to vector<16xf32>
        %swap3A_449 = vector.shape_cast %get3A_233 : vector<16xf32> to vector<1x16xf32>
        tpu.vector_store %arg8[%swap3A_445, %swap3A_446], %swap3A_449 {strides = array<i32>} : memref<128x64xf32, #tpu.memory_space<vmem>>, vector<1x16xf32>,
        %swap3A_450 = arith.index_cast %add3A_434 : i32 to index
        %swap3A_451 = arith.constant 48 : index
        %swap3A_452 = tpu.vector_load %arg8[%swap3A_450, %swap3A_451] {strides = array<i32>} : memref<128x64xf32, #tpu.memory_space<vmem>>, vector<1x16xf32>,
        %swap3A_453 = vector.shape_cast %swap3A_452 : vector<1x16xf32> to vector<16xf32>
        %swap3A_454 = vector.shape_cast %get3A_237 : vector<16xf32> to vector<1x16xf32>
        tpu.vector_store %arg8[%swap3A_450, %swap3A_451], %swap3A_454 {strides = array<i32>} : memref<128x64xf32, #tpu.memory_space<vmem>>, vector<1x16xf32>,
        %scan3A_455 = arith.constant 7 : i32
        %scan3A_456 = arith.addi %scan3A_275, %scan3A_455 : i32
        %mul3A_457 = arith.constant 1 : i32
        %mul3A_458 = arith.muli %scan3A_456, %mul3A_457 : i32
        %add3A_459 = arith.constant 0 : i32
        %add3A_460 = arith.addi %add3A_459, %mul3A_458 : i32
        %swap3A_461 = arith.index_cast %add3A_460 : i32 to index
        %swap3A_462 = arith.constant 0 : index
        %swap3A_463 = tpu.vector_load %arg8[%swap3A_461, %swap3A_462] {strides = array<i32>} : memref<128x64xf32, #tpu.memory_space<vmem>>, vector<1x16xf32>,
        %swap3A_464 = vector.shape_cast %swap3A_463 : vector<1x16xf32> to vector<16xf32>
        %swap3A_465 = vector.shape_cast %get3A_225 : vector<16xf32> to vector<1x16xf32>
        tpu.vector_store %arg8[%swap3A_461, %swap3A_462], %swap3A_465 {strides = array<i32>} : memref<128x64xf32, #tpu.memory_space<vmem>>, vector<1x16xf32>,
        %swap3A_466 = arith.index_cast %add3A_460 : i32 to index
        %swap3A_467 = arith.constant 16 : index
        %swap3A_468 = tpu.vector_load %arg8[%swap3A_466, %swap3A_467] {strides = array<i32>} : memref<128x64xf32, #tpu.memory_space<vmem>>, vector<1x16xf32>,
        %swap3A_469 = vector.shape_cast %swap3A_468 : vector<1x16xf32> to vector<16xf32>
        %swap3A_470 = vector.shape_cast %get3A_229 : vector<16xf32> to vector<1x16xf32>
        tpu.vector_store %arg8[%swap3A_466, %swap3A_467], %swap3A_470 {strides = array<i32>} : memref<128x64xf32, #tpu.memory_space<vmem>>, vector<1x16xf32>,
        %swap3A_471 = arith.index_cast %add3A_460 : i32 to index
        %swap3A_472 = arith.constant 32 : index
        %swap3A_473 = tpu.vector_load %arg8[%swap3A_471, %swap3A_472] {strides = array<i32>} : memref<128x64xf32, #tpu.memory_space<vmem>>, vector<1x16xf32>,
        %swap3A_474 = vector.shape_cast %swap3A_473 : vector<1x16xf32> to vector<16xf32>
        %swap3A_475 = vector.shape_cast %get3A_233 : vector<16xf32> to vector<1x16xf32>
        tpu.vector_store %arg8[%swap3A_471, %swap3A_472], %swap3A_475 {strides = array<i32>} : memref<128x64xf32, #tpu.memory_space<vmem>>, vector<1x16xf32>,
        %swap3A_476 = arith.index_cast %add3A_460 : i32 to index
        %swap3A_477 = arith.constant 48 : index
        %swap3A_478 = tpu.vector_load %arg8[%swap3A_476, %swap3A_477] {strides = array<i32>} : memref<128x64xf32, #tpu.memory_space<vmem>>, vector<1x16xf32>,
        %swap3A_479 = vector.shape_cast %swap3A_478 : vector<1x16xf32> to vector<16xf32>
        %swap3A_480 = vector.shape_cast %get3A_237 : vector<16xf32> to vector<1x16xf32>
        tpu.vector_store %arg8[%swap3A_476, %swap3A_477], %swap3A_480 {strides = array<i32>} : memref<128x64xf32, #tpu.memory_space<vmem>>, vector<1x16xf32>,
        %scan3A_481 = arith.constant 8 : i32
        %scan3A_482 = arith.addi %scan3A_275, %scan3A_481 : i32
        %mul3A_483 = arith.constant 1 : i32
        %mul3A_484 = arith.muli %scan3A_482, %mul3A_483 : i32
        %add3A_485 = arith.constant 0 : i32
        %add3A_486 = arith.addi %add3A_485, %mul3A_484 : i32
        %swap3A_487 = arith.index_cast %add3A_486 : i32 to index
        %swap3A_488 = arith.constant 0 : index
        %swap3A_489 = tpu.vector_load %arg8[%swap3A_487, %swap3A_488] {strides = array<i32>} : memref<128x64xf32, #tpu.memory_space<vmem>>, vector<1x16xf32>,
        %swap3A_490 = vector.shape_cast %swap3A_489 : vector<1x16xf32> to vector<16xf32>
        %swap3A_491 = vector.shape_cast %get3A_225 : vector<16xf32> to vector<1x16xf32>
        tpu.vector_store %arg8[%swap3A_487, %swap3A_488], %swap3A_491 {strides = array<i32>} : memref<128x64xf32, #tpu.memory_space<vmem>>, vector<1x16xf32>,
        %swap3A_492 = arith.index_cast %add3A_486 : i32 to index
        %swap3A_493 = arith.constant 16 : index
        %swap3A_494 = tpu.vector_load %arg8[%swap3A_492, %swap3A_493] {strides = array<i32>} : memref<128x64xf32, #tpu.memory_space<vmem>>, vector<1x16xf32>,
        %swap3A_495 = vector.shape_cast %swap3A_494 : vector<1x16xf32> to vector<16xf32>
        %swap3A_496 = vector.shape_cast %get3A_229 : vector<16xf32> to vector<1x16xf32>
        tpu.vector_store %arg8[%swap3A_492, %swap3A_493], %swap3A_496 {strides = array<i32>} : memref<128x64xf32, #tpu.memory_space<vmem>>, vector<1x16xf32>,
        %swap3A_497 = arith.index_cast %add3A_486 : i32 to index
        %swap3A_498 = arith.constant 32 : index
        %swap3A_499 = tpu.vector_load %arg8[%swap3A_497, %swap3A_498] {strides = array<i32>} : memref<128x64xf32, #tpu.memory_space<vmem>>, vector<1x16xf32>,
        %swap3A_500 = vector.shape_cast %swap3A_499 : vector<1x16xf32> to vector<16xf32>
        %swap3A_501 = vector.shape_cast %get3A_233 : vector<16xf32> to vector<1x16xf32>
        tpu.vector_store %arg8[%swap3A_497, %swap3A_498], %swap3A_501 {strides = array<i32>} : memref<128x64xf32, #tpu.memory_space<vmem>>, vector<1x16xf32>,
        %swap3A_502 = arith.index_cast %add3A_486 : i32 to index
        %swap3A_503 = arith.constant 48 : index
        %swap3A_504 = tpu.vector_load %arg8[%swap3A_502, %swap3A_503] {strides = array<i32>} : memref<128x64xf32, #tpu.memory_space<vmem>>, vector<1x16xf32>,
        %swap3A_505 = vector.shape_cast %swap3A_504 : vector<1x16xf32> to vector<16xf32>
        %swap3A_506 = vector.shape_cast %get3A_237 : vector<16xf32> to vector<1x16xf32>
        tpu.vector_store %arg8[%swap3A_502, %swap3A_503], %swap3A_506 {strides = array<i32>} : memref<128x64xf32, #tpu.memory_space<vmem>>, vector<1x16xf32>,
        %scan3A_507 = arith.constant 9 : i32
        %scan3A_508 = arith.addi %scan3A_275, %scan3A_507 : i32
        %mul3A_509 = arith.constant 1 : i32
        %mul3A_510 = arith.muli %scan3A_508, %mul3A_509 : i32
        %add3A_511 = arith.constant 0 : i32
        %add3A_512 = arith.addi %add3A_511, %mul3A_510 : i32
        %swap3A_513 = arith.index_cast %add3A_512 : i32 to index
        %swap3A_514 = arith.constant 0 : index
        %swap3A_515 = tpu.vector_load %arg8[%swap3A_513, %swap3A_514] {strides = array<i32>} : memref<128x64xf32, #tpu.memory_space<vmem>>, vector<1x16xf32>,
        %swap3A_516 = vector.shape_cast %swap3A_515 : vector<1x16xf32> to vector<16xf32>
        %swap3A_517 = vector.shape_cast %get3A_225 : vector<16xf32> to vector<1x16xf32>
        tpu.vector_store %arg8[%swap3A_513, %swap3A_514], %swap3A_517 {strides = array<i32>} : memref<128x64xf32, #tpu.memory_space<vmem>>, vector<1x16xf32>,
        %swap3A_518 = arith.index_cast %add3A_512 : i32 to index
        %swap3A_519 = arith.constant 16 : index
        %swap3A_520 = tpu.vector_load %arg8[%swap3A_518, %swap3A_519] {strides = array<i32>} : memref<128x64xf32, #tpu.memory_space<vmem>>, vector<1x16xf32>,
        %swap3A_521 = vector.shape_cast %swap3A_520 : vector<1x16xf32> to vector<16xf32>
        %swap3A_522 = vector.shape_cast %get3A_229 : vector<16xf32> to vector<1x16xf32>
        tpu.vector_store %arg8[%swap3A_518, %swap3A_519], %swap3A_522 {strides = array<i32>} : memref<128x64xf32, #tpu.memory_space<vmem>>, vector<1x16xf32>,
        %swap3A_523 = arith.index_cast %add3A_512 : i32 to index
        %swap3A_524 = arith.constant 32 : index
        %swap3A_525 = tpu.vector_load %arg8[%swap3A_523, %swap3A_524] {strides = array<i32>} : memref<128x64xf32, #tpu.memory_space<vmem>>, vector<1x16xf32>,
        %swap3A_526 = vector.shape_cast %swap3A_525 : vector<1x16xf32> to vector<16xf32>
        %swap3A_527 = vector.shape_cast %get3A_233 : vector<16xf32> to vector<1x16xf32>
        tpu.vector_store %arg8[%swap3A_523, %swap3A_524], %swap3A_527 {strides = array<i32>} : memref<128x64xf32, #tpu.memory_space<vmem>>, vector<1x16xf32>,
        %swap3A_528 = arith.index_cast %add3A_512 : i32 to index
        %swap3A_529 = arith.constant 48 : index
        %swap3A_530 = tpu.vector_load %arg8[%swap3A_528, %swap3A_529] {strides = array<i32>} : memref<128x64xf32, #tpu.memory_space<vmem>>, vector<1x16xf32>,
        %swap3A_531 = vector.shape_cast %swap3A_530 : vector<1x16xf32> to vector<16xf32>
        %swap3A_532 = vector.shape_cast %get3A_237 : vector<16xf32> to vector<1x16xf32>
        tpu.vector_store %arg8[%swap3A_528, %swap3A_529], %swap3A_532 {strides = array<i32>} : memref<128x64xf32, #tpu.memory_space<vmem>>, vector<1x16xf32>,
        %scan3A_533 = arith.constant 10 : i32
        %scan3A_534 = arith.addi %scan3A_275, %scan3A_533 : i32
        %mul3A_535 = arith.constant 1 : i32
        %mul3A_536 = arith.muli %scan3A_534, %mul3A_535 : i32
        %add3A_537 = arith.constant 0 : i32
        %add3A_538 = arith.addi %add3A_537, %mul3A_536 : i32
        %swap3A_539 = arith.index_cast %add3A_538 : i32 to index
        %swap3A_540 = arith.constant 0 : index
        %swap3A_541 = tpu.vector_load %arg8[%swap3A_539, %swap3A_540] {strides = array<i32>} : memref<128x64xf32, #tpu.memory_space<vmem>>, vector<1x16xf32>,
        %swap3A_542 = vector.shape_cast %swap3A_541 : vector<1x16xf32> to vector<16xf32>
        %swap3A_543 = vector.shape_cast %get3A_225 : vector<16xf32> to vector<1x16xf32>
        tpu.vector_store %arg8[%swap3A_539, %swap3A_540], %swap3A_543 {strides = array<i32>} : memref<128x64xf32, #tpu.memory_space<vmem>>, vector<1x16xf32>,
        %swap3A_544 = arith.index_cast %add3A_538 : i32 to index
        %swap3A_545 = arith.constant 16 : index
        %swap3A_546 = tpu.vector_load %arg8[%swap3A_544, %swap3A_545] {strides = array<i32>} : memref<128x64xf32, #tpu.memory_space<vmem>>, vector<1x16xf32>,
        %swap3A_547 = vector.shape_cast %swap3A_546 : vector<1x16xf32> to vector<16xf32>
        %swap3A_548 = vector.shape_cast %get3A_229 : vector<16xf32> to vector<1x16xf32>
        tpu.vector_store %arg8[%swap3A_544, %swap3A_545], %swap3A_548 {strides = array<i32>} : memref<128x64xf32, #tpu.memory_space<vmem>>, vector<1x16xf32>,
        %swap3A_549 = arith.index_cast %add3A_538 : i32 to index
        %swap3A_550 = arith.constant 32 : index
        %swap3A_551 = tpu.vector_load %arg8[%swap3A_549, %swap3A_550] {strides = array<i32>} : memref<128x64xf32, #tpu.memory_space<vmem>>, vector<1x16xf32>,
        %swap3A_552 = vector.shape_cast %swap3A_551 : vector<1x16xf32> to vector<16xf32>
        %swap3A_553 = vector.shape_cast %get3A_233 : vector<16xf32> to vector<1x16xf32>
        tpu.vector_store %arg8[%swap3A_549, %swap3A_550], %swap3A_553 {strides = array<i32>} : memref<128x64xf32, #tpu.memory_space<vmem>>, vector<1x16xf32>,
        %swap3A_554 = arith.index_cast %add3A_538 : i32 to index
        %swap3A_555 = arith.constant 48 : index
        %swap3A_556 = tpu.vector_load %arg8[%swap3A_554, %swap3A_555] {strides = array<i32>} : memref<128x64xf32, #tpu.memory_space<vmem>>, vector<1x16xf32>,
        %swap3A_557 = vector.shape_cast %swap3A_556 : vector<1x16xf32> to vector<16xf32>
        %swap3A_558 = vector.shape_cast %get3A_237 : vector<16xf32> to vector<1x16xf32>
        tpu.vector_store %arg8[%swap3A_554, %swap3A_555], %swap3A_558 {strides = array<i32>} : memref<128x64xf32, #tpu.memory_space<vmem>>, vector<1x16xf32>,
        %scan3A_559 = arith.constant 11 : i32
        %scan3A_560 = arith.addi %scan3A_275, %scan3A_559 : i32
        %mul3A_561 = arith.constant 1 : i32
        %mul3A_562 = arith.muli %scan3A_560, %mul3A_561 : i32
        %add3A_563 = arith.constant 0 : i32
        %add3A_564 = arith.addi %add3A_563, %mul3A_562 : i32
        %swap3A_565 = arith.index_cast %add3A_564 : i32 to index
        %swap3A_566 = arith.constant 0 : index
        %swap3A_567 = tpu.vector_load %arg8[%swap3A_565, %swap3A_566] {strides = array<i32>} : memref<128x64xf32, #tpu.memory_space<vmem>>, vector<1x16xf32>,
        %swap3A_568 = vector.shape_cast %swap3A_567 : vector<1x16xf32> to vector<16xf32>
        %swap3A_569 = vector.shape_cast %get3A_225 : vector<16xf32> to vector<1x16xf32>
        tpu.vector_store %arg8[%swap3A_565, %swap3A_566], %swap3A_569 {strides = array<i32>} : memref<128x64xf32, #tpu.memory_space<vmem>>, vector<1x16xf32>,
        %swap3A_570 = arith.index_cast %add3A_564 : i32 to index
        %swap3A_571 = arith.constant 16 : index
        %swap3A_572 = tpu.vector_load %arg8[%swap3A_570, %swap3A_571] {strides = array<i32>} : memref<128x64xf32, #tpu.memory_space<vmem>>, vector<1x16xf32>,
        %swap3A_573 = vector.shape_cast %swap3A_572 : vector<1x16xf32> to vector<16xf32>
        %swap3A_574 = vector.shape_cast %get3A_229 : vector<16xf32> to vector<1x16xf32>
        tpu.vector_store %arg8[%swap3A_570, %swap3A_571], %swap3A_574 {strides = array<i32>} : memref<128x64xf32, #tpu.memory_space<vmem>>, vector<1x16xf32>,
        %swap3A_575 = arith.index_cast %add3A_564 : i32 to index
        %swap3A_576 = arith.constant 32 : index
        %swap3A_577 = tpu.vector_load %arg8[%swap3A_575, %swap3A_576] {strides = array<i32>} : memref<128x64xf32, #tpu.memory_space<vmem>>, vector<1x16xf32>,
        %swap3A_578 = vector.shape_cast %swap3A_577 : vector<1x16xf32> to vector<16xf32>
        %swap3A_579 = vector.shape_cast %get3A_233 : vector<16xf32> to vector<1x16xf32>
        tpu.vector_store %arg8[%swap3A_575, %swap3A_576], %swap3A_579 {strides = array<i32>} : memref<128x64xf32, #tpu.memory_space<vmem>>, vector<1x16xf32>,
        %swap3A_580 = arith.index_cast %add3A_564 : i32 to index
        %swap3A_581 = arith.constant 48 : index
        %swap3A_582 = tpu.vector_load %arg8[%swap3A_580, %swap3A_581] {strides = array<i32>} : memref<128x64xf32, #tpu.memory_space<vmem>>, vector<1x16xf32>,
        %swap3A_583 = vector.shape_cast %swap3A_582 : vector<1x16xf32> to vector<16xf32>
        %swap3A_584 = vector.shape_cast %get3A_237 : vector<16xf32> to vector<1x16xf32>
        tpu.vector_store %arg8[%swap3A_580, %swap3A_581], %swap3A_584 {strides = array<i32>} : memref<128x64xf32, #tpu.memory_space<vmem>>, vector<1x16xf32>,
        %scan3A_585 = arith.constant 12 : i32
        %scan3A_586 = arith.addi %scan3A_275, %scan3A_585 : i32
        %mul3A_587 = arith.constant 1 : i32
        %mul3A_588 = arith.muli %scan3A_586, %mul3A_587 : i32
        %add3A_589 = arith.constant 0 : i32
        %add3A_590 = arith.addi %add3A_589, %mul3A_588 : i32
        %swap3A_591 = arith.index_cast %add3A_590 : i32 to index
        %swap3A_592 = arith.constant 0 : index
        %swap3A_593 = tpu.vector_load %arg8[%swap3A_591, %swap3A_592] {strides = array<i32>} : memref<128x64xf32, #tpu.memory_space<vmem>>, vector<1x16xf32>,
        %swap3A_594 = vector.shape_cast %swap3A_593 : vector<1x16xf32> to vector<16xf32>
        %swap3A_595 = vector.shape_cast %get3A_225 : vector<16xf32> to vector<1x16xf32>
        tpu.vector_store %arg8[%swap3A_591, %swap3A_592], %swap3A_595 {strides = array<i32>} : memref<128x64xf32, #tpu.memory_space<vmem>>, vector<1x16xf32>,
        %swap3A_596 = arith.index_cast %add3A_590 : i32 to index
        %swap3A_597 = arith.constant 16 : index
        %swap3A_598 = tpu.vector_load %arg8[%swap3A_596, %swap3A_597] {strides = array<i32>} : memref<128x64xf32, #tpu.memory_space<vmem>>, vector<1x16xf32>,
        %swap3A_599 = vector.shape_cast %swap3A_598 : vector<1x16xf32> to vector<16xf32>
        %swap3A_600 = vector.shape_cast %get3A_229 : vector<16xf32> to vector<1x16xf32>
        tpu.vector_store %arg8[%swap3A_596, %swap3A_597], %swap3A_600 {strides = array<i32>} : memref<128x64xf32, #tpu.memory_space<vmem>>, vector<1x16xf32>,
        %swap3A_601 = arith.index_cast %add3A_590 : i32 to index
        %swap3A_602 = arith.constant 32 : index
        %swap3A_603 = tpu.vector_load %arg8[%swap3A_601, %swap3A_602] {strides = array<i32>} : memref<128x64xf32, #tpu.memory_space<vmem>>, vector<1x16xf32>,
        %swap3A_604 = vector.shape_cast %swap3A_603 : vector<1x16xf32> to vector<16xf32>
        %swap3A_605 = vector.shape_cast %get3A_233 : vector<16xf32> to vector<1x16xf32>
        tpu.vector_store %arg8[%swap3A_601, %swap3A_602], %swap3A_605 {strides = array<i32>} : memref<128x64xf32, #tpu.memory_space<vmem>>, vector<1x16xf32>,
        %swap3A_606 = arith.index_cast %add3A_590 : i32 to index
        %swap3A_607 = arith.constant 48 : index
        %swap3A_608 = tpu.vector_load %arg8[%swap3A_606, %swap3A_607] {strides = array<i32>} : memref<128x64xf32, #tpu.memory_space<vmem>>, vector<1x16xf32>,
        %swap3A_609 = vector.shape_cast %swap3A_608 : vector<1x16xf32> to vector<16xf32>
        %swap3A_610 = vector.shape_cast %get3A_237 : vector<16xf32> to vector<1x16xf32>
        tpu.vector_store %arg8[%swap3A_606, %swap3A_607], %swap3A_610 {strides = array<i32>} : memref<128x64xf32, #tpu.memory_space<vmem>>, vector<1x16xf32>,
        %scan3A_611 = arith.constant 13 : i32
        %scan3A_612 = arith.addi %scan3A_275, %scan3A_611 : i32
        %mul3A_613 = arith.constant 1 : i32
        %mul3A_614 = arith.muli %scan3A_612, %mul3A_613 : i32
        %add3A_615 = arith.constant 0 : i32
        %add3A_616 = arith.addi %add3A_615, %mul3A_614 : i32
        %swap3A_617 = arith.index_cast %add3A_616 : i32 to index
        %swap3A_618 = arith.constant 0 : index
        %swap3A_619 = tpu.vector_load %arg8[%swap3A_617, %swap3A_618] {strides = array<i32>} : memref<128x64xf32, #tpu.memory_space<vmem>>, vector<1x16xf32>,
        %swap3A_620 = vector.shape_cast %swap3A_619 : vector<1x16xf32> to vector<16xf32>
        %swap3A_621 = vector.shape_cast %get3A_225 : vector<16xf32> to vector<1x16xf32>
        tpu.vector_store %arg8[%swap3A_617, %swap3A_618], %swap3A_621 {strides = array<i32>} : memref<128x64xf32, #tpu.memory_space<vmem>>, vector<1x16xf32>,
        %swap3A_622 = arith.index_cast %add3A_616 : i32 to index
        %swap3A_623 = arith.constant 16 : index
        %swap3A_624 = tpu.vector_load %arg8[%swap3A_622, %swap3A_623] {strides = array<i32>} : memref<128x64xf32, #tpu.memory_space<vmem>>, vector<1x16xf32>,
        %swap3A_625 = vector.shape_cast %swap3A_624 : vector<1x16xf32> to vector<16xf32>
        %swap3A_626 = vector.shape_cast %get3A_229 : vector<16xf32> to vector<1x16xf32>
        tpu.vector_store %arg8[%swap3A_622, %swap3A_623], %swap3A_626 {strides = array<i32>} : memref<128x64xf32, #tpu.memory_space<vmem>>, vector<1x16xf32>,
        %swap3A_627 = arith.index_cast %add3A_616 : i32 to index
        %swap3A_628 = arith.constant 32 : index
        %swap3A_629 = tpu.vector_load %arg8[%swap3A_627, %swap3A_628] {strides = array<i32>} : memref<128x64xf32, #tpu.memory_space<vmem>>, vector<1x16xf32>,
        %swap3A_630 = vector.shape_cast %swap3A_629 : vector<1x16xf32> to vector<16xf32>
        %swap3A_631 = vector.shape_cast %get3A_233 : vector<16xf32> to vector<1x16xf32>
        tpu.vector_store %arg8[%swap3A_627, %swap3A_628], %swap3A_631 {strides = array<i32>} : memref<128x64xf32, #tpu.memory_space<vmem>>, vector<1x16xf32>,
        %swap3A_632 = arith.index_cast %add3A_616 : i32 to index
        %swap3A_633 = arith.constant 48 : index
        %swap3A_634 = tpu.vector_load %arg8[%swap3A_632, %swap3A_633] {strides = array<i32>} : memref<128x64xf32, #tpu.memory_space<vmem>>, vector<1x16xf32>,
        %swap3A_635 = vector.shape_cast %swap3A_634 : vector<1x16xf32> to vector<16xf32>
        %swap3A_636 = vector.shape_cast %get3A_237 : vector<16xf32> to vector<1x16xf32>
        tpu.vector_store %arg8[%swap3A_632, %swap3A_633], %swap3A_636 {strides = array<i32>} : memref<128x64xf32, #tpu.memory_space<vmem>>, vector<1x16xf32>,
        %scan3A_637 = arith.constant 14 : i32
        %scan3A_638 = arith.addi %scan3A_275, %scan3A_637 : i32
        %mul3A_639 = arith.constant 1 : i32
        %mul3A_640 = arith.muli %scan3A_638, %mul3A_639 : i32
        %add3A_641 = arith.constant 0 : i32
        %add3A_642 = arith.addi %add3A_641, %mul3A_640 : i32
        %swap3A_643 = arith.index_cast %add3A_642 : i32 to index
        %swap3A_644 = arith.constant 0 : index
        %swap3A_645 = tpu.vector_load %arg8[%swap3A_643, %swap3A_644] {strides = array<i32>} : memref<128x64xf32, #tpu.memory_space<vmem>>, vector<1x16xf32>,
        %swap3A_646 = vector.shape_cast %swap3A_645 : vector<1x16xf32> to vector<16xf32>
        %swap3A_647 = vector.shape_cast %get3A_225 : vector<16xf32> to vector<1x16xf32>
        tpu.vector_store %arg8[%swap3A_643, %swap3A_644], %swap3A_647 {strides = array<i32>} : memref<128x64xf32, #tpu.memory_space<vmem>>, vector<1x16xf32>,
        %swap3A_648 = arith.index_cast %add3A_642 : i32 to index
        %swap3A_649 = arith.constant 16 : index
        %swap3A_650 = tpu.vector_load %arg8[%swap3A_648, %swap3A_649] {strides = array<i32>} : memref<128x64xf32, #tpu.memory_space<vmem>>, vector<1x16xf32>,
        %swap3A_651 = vector.shape_cast %swap3A_650 : vector<1x16xf32> to vector<16xf32>
        %swap3A_652 = vector.shape_cast %get3A_229 : vector<16xf32> to vector<1x16xf32>
        tpu.vector_store %arg8[%swap3A_648, %swap3A_649], %swap3A_652 {strides = array<i32>} : memref<128x64xf32, #tpu.memory_space<vmem>>, vector<1x16xf32>,
        %swap3A_653 = arith.index_cast %add3A_642 : i32 to index
        %swap3A_654 = arith.constant 32 : index
        %swap3A_655 = tpu.vector_load %arg8[%swap3A_653, %swap3A_654] {strides = array<i32>} : memref<128x64xf32, #tpu.memory_space<vmem>>, vector<1x16xf32>,
        %swap3A_656 = vector.shape_cast %swap3A_655 : vector<1x16xf32> to vector<16xf32>
        %swap3A_657 = vector.shape_cast %get3A_233 : vector<16xf32> to vector<1x16xf32>
        tpu.vector_store %arg8[%swap3A_653, %swap3A_654], %swap3A_657 {strides = array<i32>} : memref<128x64xf32, #tpu.memory_space<vmem>>, vector<1x16xf32>,
        %swap3A_658 = arith.index_cast %add3A_642 : i32 to index
        %swap3A_659 = arith.constant 48 : index
        %swap3A_660 = tpu.vector_load %arg8[%swap3A_658, %swap3A_659] {strides = array<i32>} : memref<128x64xf32, #tpu.memory_space<vmem>>, vector<1x16xf32>,
        %swap3A_661 = vector.shape_cast %swap3A_660 : vector<1x16xf32> to vector<16xf32>
        %swap3A_662 = vector.shape_cast %get3A_237 : vector<16xf32> to vector<1x16xf32>
        tpu.vector_store %arg8[%swap3A_658, %swap3A_659], %swap3A_662 {strides = array<i32>} : memref<128x64xf32, #tpu.memory_space<vmem>>, vector<1x16xf32>,
        %scan3A_663 = arith.constant 15 : i32
        %scan3A_664 = arith.addi %scan3A_275, %scan3A_663 : i32
        %mul3A_665 = arith.constant 1 : i32
        %mul3A_666 = arith.muli %scan3A_664, %mul3A_665 : i32
        %add3A_667 = arith.constant 0 : i32
        %add3A_668 = arith.addi %add3A_667, %mul3A_666 : i32
        %swap3A_669 = arith.index_cast %add3A_668 : i32 to index
        %swap3A_670 = arith.constant 0 : index
        %swap3A_671 = tpu.vector_load %arg8[%swap3A_669, %swap3A_670] {strides = array<i32>} : memref<128x64xf32, #tpu.memory_space<vmem>>, vector<1x16xf32>,
        %swap3A_672 = vector.shape_cast %swap3A_671 : vector<1x16xf32> to vector<16xf32>
        %swap3A_673 = vector.shape_cast %get3A_225 : vector<16xf32> to vector<1x16xf32>
        tpu.vector_store %arg8[%swap3A_669, %swap3A_670], %swap3A_673 {strides = array<i32>} : memref<128x64xf32, #tpu.memory_space<vmem>>, vector<1x16xf32>,
        %swap3A_674 = arith.index_cast %add3A_668 : i32 to index
        %swap3A_675 = arith.constant 16 : index
        %swap3A_676 = tpu.vector_load %arg8[%swap3A_674, %swap3A_675] {strides = array<i32>} : memref<128x64xf32, #tpu.memory_space<vmem>>, vector<1x16xf32>,
        %swap3A_677 = vector.shape_cast %swap3A_676 : vector<1x16xf32> to vector<16xf32>
        %swap3A_678 = vector.shape_cast %get3A_229 : vector<16xf32> to vector<1x16xf32>
        tpu.vector_store %arg8[%swap3A_674, %swap3A_675], %swap3A_678 {strides = array<i32>} : memref<128x64xf32, #tpu.memory_space<vmem>>, vector<1x16xf32>,
        %swap3A_679 = arith.index_cast %add3A_668 : i32 to index
        %swap3A_680 = arith.constant 32 : index
        %swap3A_681 = tpu.vector_load %arg8[%swap3A_679, %swap3A_680] {strides = array<i32>} : memref<128x64xf32, #tpu.memory_space<vmem>>, vector<1x16xf32>,
        %swap3A_682 = vector.shape_cast %swap3A_681 : vector<1x16xf32> to vector<16xf32>
        %swap3A_683 = vector.shape_cast %get3A_233 : vector<16xf32> to vector<1x16xf32>
        tpu.vector_store %arg8[%swap3A_679, %swap3A_680], %swap3A_683 {strides = array<i32>} : memref<128x64xf32, #tpu.memory_space<vmem>>, vector<1x16xf32>,
        %swap3A_684 = arith.index_cast %add3A_668 : i32 to index
        %swap3A_685 = arith.constant 48 : index
        %swap3A_686 = tpu.vector_load %arg8[%swap3A_684, %swap3A_685] {strides = array<i32>} : memref<128x64xf32, #tpu.memory_space<vmem>>, vector<1x16xf32>,
        %swap3A_687 = vector.shape_cast %swap3A_686 : vector<1x16xf32> to vector<16xf32>
        %swap3A_688 = vector.shape_cast %get3A_237 : vector<16xf32> to vector<1x16xf32>
        tpu.vector_store %arg8[%swap3A_684, %swap3A_685], %swap3A_688 {strides = array<i32>} : memref<128x64xf32, #tpu.memory_space<vmem>>, vector<1x16xf32>,
      }
      %scan3A_242 = arith.constant 128 : i32
      %dma_start3A_243 = arith.constant 0 : i32
      %dma_start3A_244 = arith.constant 0 : i32
      %dma_start3A_245 = tpu.memref_slice %arg4[%select_n3A, %add3A_208, %dma_start3A_243, %dma_start3A_244] : memref<2x512x512x128xf32, #tpu.memory_space<hbm>> -> memref<1x1x128x64xf32, #tpu.memory_space<hbm>>
      %dma_start3A_246 = tpu.memref_squeeze %dma_start3A_245 : memref<1x1x128x64xf32, #tpu.memory_space<hbm>> -> memref<128x64xf32, #tpu.memory_space<hbm>>
      %dma_start3A_247 = arith.constant 0 : i32
      %dma_start3A_248 = arith.constant 0 : i32
      %dma_start3A_249 = tpu.memref_slice %arg4[%select_n3A, %add3A_208, %dma_start3A_247, %dma_start3A_248] : memref<2x512x512x128xf32, #tpu.memory_space<hbm>> -> memref<1x1x128x64xf32, #tpu.memory_space<hbm>>
      %dma_start3A_250 = tpu.memref_squeeze %dma_start3A_249 : memref<1x1x128x64xf32, #tpu.memory_space<hbm>> -> memref<128x64xf32, #tpu.memory_space<hbm>>
      tpu.enqueue_dma source(%arg8 : memref<128x64xf32, #tpu.memory_space<vmem>>) target(%dma_start3A_250 : memref<128x64xf32, #tpu.memory_space<hbm>>) target_semaphore(%arg10 : memref<!tpu.dma_semaphore, #tpu.memory_space<semaphore_mem>>)
      %dma_start3A_251 = arith.constant 128 : i32
      %dma_start3A_252 = arith.constant 0 : i32
      %dma_start3A_253 = tpu.memref_slice %arg4[%select_n3A, %add3A_208, %dma_start3A_251, %dma_start3A_252] : memref<2x512x512x128xf32, #tpu.memory_space<hbm>> -> memref<1x1x128x64xf32, #tpu.memory_space<hbm>>
      %dma_start3A_254 = tpu.memref_squeeze %dma_start3A_253 : memref<1x1x128x64xf32, #tpu.memory_space<hbm>> -> memref<128x64xf32, #tpu.memory_space<hbm>>
      %dma_start3A_255 = arith.constant 128 : i32
      %dma_start3A_256 = arith.constant 0 : i32
      %dma_start3A_257 = tpu.memref_slice %arg4[%select_n3A, %add3A_208, %dma_start3A_255, %dma_start3A_256] : memref<2x512x512x128xf32, #tpu.memory_space<hbm>> -> memref<1x1x128x64xf32, #tpu.memory_space<hbm>>
      %dma_start3A_258 = tpu.memref_squeeze %dma_start3A_257 : memref<1x1x128x64xf32, #tpu.memory_space<hbm>> -> memref<128x64xf32, #tpu.memory_space<hbm>>
      tpu.enqueue_dma source(%arg8 : memref<128x64xf32, #tpu.memory_space<vmem>>) target(%dma_start3A_258 : memref<128x64xf32, #tpu.memory_space<hbm>>) target_semaphore(%arg10 : memref<!tpu.dma_semaphore, #tpu.memory_space<semaphore_mem>>)
      %dma_start3A_259 = arith.constant 256 : i32
      %dma_start3A_260 = arith.constant 0 : i32
      %dma_start3A_261 = tpu.memref_slice %arg4[%select_n3A, %add3A_208, %dma_start3A_259, %dma_start3A_260] : memref<2x512x512x128xf32, #tpu.memory_space<hbm>> -> memref<1x1x128x64xf32, #tpu.memory_space<hbm>>
      %dma_start3A_262 = tpu.memref_squeeze %dma_start3A_261 : memref<1x1x128x64xf32, #tpu.memory_space<hbm>> -> memref<128x64xf32, #tpu.memory_space<hbm>>
      %dma_start3A_263 = arith.constant 256 : i32
      %dma_start3A_264 = arith.constant 0 : i32
      %dma_start3A_265 = tpu.memref_slice %arg4[%select_n3A, %add3A_208, %dma_start3A_263, %dma_start3A_264] : memref<2x512x512x128xf32, #tpu.memory_space<hbm>> -> memref<1x1x128x64xf32, #tpu.memory_space<hbm>>
      %dma_start3A_266 = tpu.memref_squeeze %dma_start3A_265 : memref<1x1x128x64xf32, #tpu.memory_space<hbm>> -> memref<128x64xf32, #tpu.memory_space<hbm>>
      tpu.enqueue_dma source(%arg8 : memref<128x64xf32, #tpu.memory_space<vmem>>) target(%dma_start3A_266 : memref<128x64xf32, #tpu.memory_space<hbm>>) target_semaphore(%arg10 : memref<!tpu.dma_semaphore, #tpu.memory_space<semaphore_mem>>)
      %dma_start3A_267 = arith.constant 384 : i32
      %dma_start3A_268 = arith.constant 0 : i32
      %dma_start3A_269 = tpu.memref_slice %arg4[%select_n3A, %add3A_208, %dma_start3A_267, %dma_start3A_268] : memref<2x512x512x128xf32, #tpu.memory_space<hbm>> -> memref<1x1x128x64xf32, #tpu.memory_space<hbm>>
      %dma_start3A_270 = tpu.memref_squeeze %dma_start3A_269 : memref<1x1x128x64xf32, #tpu.memory_space<hbm>> -> memref<128x64xf32, #tpu.memory_space<hbm>>
      %dma_start3A_271 = arith.constant 384 : i32
      %dma_start3A_272 = arith.constant 0 : i32
      %dma_start3A_273 = tpu.memref_slice %arg4[%select_n3A, %add3A_208, %dma_start3A_271, %dma_start3A_272] : memref<2x512x512x128xf32, #tpu.memory_space<hbm>> -> memref<1x1x128x64xf32, #tpu.memory_space<hbm>>
      %dma_start3A_274 = tpu.memref_squeeze %dma_start3A_273 : memref<1x1x128x64xf32, #tpu.memory_space<hbm>> -> memref<128x64xf32, #tpu.memory_space<hbm>>
      tpu.enqueue_dma source(%arg8 : memref<128x64xf32, #tpu.memory_space<vmem>>) target(%dma_start3A_274 : memref<128x64xf32, #tpu.memory_space<hbm>>) target_semaphore(%arg10 : memref<!tpu.dma_semaphore, #tpu.memory_space<semaphore_mem>>)
    }
    %scan3A_62 = arith.constant 16 : i32
    %dma_wait3A_63 = arith.constant 0 : i32
    %dma_wait3A_64 = arith.constant 0 : i32
    %dma_wait3A_65 = tpu.memref_slice %arg4[%select_n3A, %mul3A_32, %dma_wait3A_63, %dma_wait3A_64] : memref<2x512x512x128xf32, #tpu.memory_space<hbm>> -> memref<1x1x128x64xf32, #tpu.memory_space<hbm>>
    %dma_wait3A_66 = tpu.memref_squeeze %dma_wait3A_65 : memref<1x1x128x64xf32, #tpu.memory_space<hbm>> -> memref<128x64xf32, #tpu.memory_space<hbm>>
    %dma_wait3A_67 = arith.constant 0 : i32
    %dma_wait3A_68 = arith.constant 0 : i32
    %dma_wait3A_69 = tpu.memref_slice %arg4[%select_n3A, %mul3A_32, %dma_wait3A_67, %dma_wait3A_68] : memref<2x512x512x128xf32, #tpu.memory_space<hbm>> -> memref<1x1x128x64xf32, #tpu.memory_space<hbm>>
    %dma_wait3A_70 = tpu.memref_squeeze %dma_wait3A_69 : memref<1x1x128x64xf32, #tpu.memory_space<hbm>> -> memref<128x64xf32, #tpu.memory_space<hbm>>
    tpu.wait_dma2 semaphore(%arg9 : memref<!tpu.dma_semaphore, #tpu.memory_space<semaphore_mem>>) src(%arg7 : memref<128x64xf32, #tpu.memory_space<vmem>>) dst(%dma_wait3A_70 : memref<128x64xf32, #tpu.memory_space<hbm>>)
    %dma_wait3A_71 = arith.constant 128 : i32
    %dma_wait3A_72 = arith.constant 0 : i32
    %dma_wait3A_73 = tpu.memref_slice %arg4[%select_n3A, %mul3A_32, %dma_wait3A_71, %dma_wait3A_72] : memref<2x512x512x128xf32, #tpu.memory_space<hbm>> -> memref<1x1x128x64xf32, #tpu.memory_space<hbm>>
    %dma_wait3A_74 = tpu.memref_squeeze %dma_wait3A_73 : memref<1x1x128x64xf32, #tpu.memory_space<hbm>> -> memref<128x64xf32, #tpu.memory_space<hbm>>
    %dma_wait3A_75 = arith.constant 128 : i32
    %dma_wait3A_76 = arith.constant 0 : i32
    %dma_wait3A_77 = tpu.memref_slice %arg4[%select_n3A, %mul3A_32, %dma_wait3A_75, %dma_wait3A_76] : memref<2x512x512x128xf32, #tpu.memory_space<hbm>> -> memref<1x1x128x64xf32, #tpu.memory_space<hbm>>
    %dma_wait3A_78 = tpu.memref_squeeze %dma_wait3A_77 : memref<1x1x128x64xf32, #tpu.memory_space<hbm>> -> memref<128x64xf32, #tpu.memory_space<hbm>>
    tpu.wait_dma2 semaphore(%arg9 : memref<!tpu.dma_semaphore, #tpu.memory_space<semaphore_mem>>) src(%arg7 : memref<128x64xf32, #tpu.memory_space<vmem>>) dst(%dma_wait3A_78 : memref<128x64xf32, #tpu.memory_space<hbm>>)
    %dma_wait3A_79 = arith.constant 256 : i32
    %dma_wait3A_80 = arith.constant 0 : i32
    %dma_wait3A_81 = tpu.memref_slice %arg4[%select_n3A, %mul3A_32, %dma_wait3A_79, %dma_wait3A_80] : memref<2x512x512x128xf32, #tpu.memory_space<hbm>> -> memref<1x1x128x64xf32, #tpu.memory_space<hbm>>
    %dma_wait3A_82 = tpu.memref_squeeze %dma_wait3A_81 : memref<1x1x128x64xf32, #tpu.memory_space<hbm>> -> memref<128x64xf32, #tpu.memory_space<hbm>>
    %dma_wait3A_83 = arith.constant 256 : i32
    %dma_wait3A_84 = arith.constant 0 : i32
    %dma_wait3A_85 = tpu.memref_slice %arg4[%select_n3A, %mul3A_32, %dma_wait3A_83, %dma_wait3A_84] : memref<2x512x512x128xf32, #tpu.memory_space<hbm>> -> memref<1x1x128x64xf32, #tpu.memory_space<hbm>>
    %dma_wait3A_86 = tpu.memref_squeeze %dma_wait3A_85 : memref<1x1x128x64xf32, #tpu.memory_space<hbm>> -> memref<128x64xf32, #tpu.memory_space<hbm>>
    tpu.wait_dma2 semaphore(%arg9 : memref<!tpu.dma_semaphore, #tpu.memory_space<semaphore_mem>>) src(%arg7 : memref<128x64xf32, #tpu.memory_space<vmem>>) dst(%dma_wait3A_86 : memref<128x64xf32, #tpu.memory_space<hbm>>)
    %dma_wait3A_87 = arith.constant 384 : i32
    %dma_wait3A_88 = arith.constant 0 : i32
    %dma_wait3A_89 = tpu.memref_slice %arg4[%select_n3A, %mul3A_32, %dma_wait3A_87, %dma_wait3A_88] : memref<2x512x512x128xf32, #tpu.memory_space<hbm>> -> memref<1x1x128x64xf32, #tpu.memory_space<hbm>>
    %dma_wait3A_90 = tpu.memref_squeeze %dma_wait3A_89 : memref<1x1x128x64xf32, #tpu.memory_space<hbm>> -> memref<128x64xf32, #tpu.memory_space<hbm>>
    %dma_wait3A_91 = arith.constant 384 : i32
    %dma_wait3A_92 = arith.constant 0 : i32
    %dma_wait3A_93 = tpu.memref_slice %arg4[%select_n3A, %mul3A_32, %dma_wait3A_91, %dma_wait3A_92] : memref<2x512x512x128xf32, #tpu.memory_space<hbm>> -> memref<1x1x128x64xf32, #tpu.memory_space<hbm>>
    %dma_wait3A_94 = tpu.memref_squeeze %dma_wait3A_93 : memref<1x1x128x64xf32, #tpu.memory_space<hbm>> -> memref<128x64xf32, #tpu.memory_space<hbm>>
    tpu.wait_dma2 semaphore(%arg9 : memref<!tpu.dma_semaphore, #tpu.memory_space<semaphore_mem>>) src(%arg7 : memref<128x64xf32, #tpu.memory_space<vmem>>) dst(%dma_wait3A_94 : memref<128x64xf32, #tpu.memory_space<hbm>>)
    %dma_wait3A_95 = arith.constant 0 : i32
    %dma_wait3A_96 = arith.constant 0 : i32
    %dma_wait3A_97 = tpu.memref_slice %arg4[%select_n3A, %mul3A_32, %dma_wait3A_95, %dma_wait3A_96] : memref<2x512x512x128xf32, #tpu.memory_space<hbm>> -> memref<1x1x128x64xf32, #tpu.memory_space<hbm>>
    %dma_wait3A_98 = tpu.memref_squeeze %dma_wait3A_97 : memref<1x1x128x64xf32, #tpu.memory_space<hbm>> -> memref<128x64xf32, #tpu.memory_space<hbm>>
    %dma_wait3A_99 = arith.constant 0 : i32
    %dma_wait3A_100 = arith.constant 0 : i32
    %dma_wait3A_101 = tpu.memref_slice %arg4[%select_n3A, %mul3A_32, %dma_wait3A_99, %dma_wait3A_100] : memref<2x512x512x128xf32, #tpu.memory_space<hbm>> -> memref<1x1x128x64xf32, #tpu.memory_space<hbm>>
    %dma_wait3A_102 = tpu.memref_squeeze %dma_wait3A_101 : memref<1x1x128x64xf32, #tpu.memory_space<hbm>> -> memref<128x64xf32, #tpu.memory_space<hbm>>
    tpu.wait_dma2 semaphore(%arg10 : memref<!tpu.dma_semaphore, #tpu.memory_space<semaphore_mem>>) src(%arg8 : memref<128x64xf32, #tpu.memory_space<vmem>>) dst(%dma_wait3A_102 : memref<128x64xf32, #tpu.memory_space<hbm>>)
    %dma_wait3A_103 = arith.constant 128 : i32
    %dma_wait3A_104 = arith.constant 0 : i32
    %dma_wait3A_105 = tpu.memref_slice %arg4[%select_n3A, %mul3A_32, %dma_wait3A_103, %dma_wait3A_104] : memref<2x512x512x128xf32, #tpu.memory_space<hbm>> -> memref<1x1x128x64xf32, #tpu.memory_space<hbm>>
    %dma_wait3A_106 = tpu.memref_squeeze %dma_wait3A_105 : memref<1x1x128x64xf32, #tpu.memory_space<hbm>> -> memref<128x64xf32, #tpu.memory_space<hbm>>
    %dma_wait3A_107 = arith.constant 128 : i32
    %dma_wait3A_108 = arith.constant 0 : i32
    %dma_wait3A_109 = tpu.memref_slice %arg4[%select_n3A, %mul3A_32, %dma_wait3A_107, %dma_wait3A_108] : memref<2x512x512x128xf32, #tpu.memory_space<hbm>> -> memref<1x1x128x64xf32, #tpu.memory_space<hbm>>
    %dma_wait3A_110 = tpu.memref_squeeze %dma_wait3A_109 : memref<1x1x128x64xf32, #tpu.memory_space<hbm>> -> memref<128x64xf32, #tpu.memory_space<hbm>>
    tpu.wait_dma2 semaphore(%arg10 : memref<!tpu.dma_semaphore, #tpu.memory_space<semaphore_mem>>) src(%arg8 : memref<128x64xf32, #tpu.memory_space<vmem>>) dst(%dma_wait3A_110 : memref<128x64xf32, #tpu.memory_space<hbm>>)
    %dma_wait3A_111 = arith.constant 256 : i32
    %dma_wait3A_112 = arith.constant 0 : i32
    %dma_wait3A_113 = tpu.memref_slice %arg4[%select_n3A, %mul3A_32, %dma_wait3A_111, %dma_wait3A_112] : memref<2x512x512x128xf32, #tpu.memory_space<hbm>> -> memref<1x1x128x64xf32, #tpu.memory_space<hbm>>
    %dma_wait3A_114 = tpu.memref_squeeze %dma_wait3A_113 : memref<1x1x128x64xf32, #tpu.memory_space<hbm>> -> memref<128x64xf32, #tpu.memory_space<hbm>>
    %dma_wait3A_115 = arith.constant 256 : i32
    %dma_wait3A_116 = arith.constant 0 : i32
    %dma_wait3A_117 = tpu.memref_slice %arg4[%select_n3A, %mul3A_32, %dma_wait3A_115, %dma_wait3A_116] : memref<2x512x512x128xf32, #tpu.memory_space<hbm>> -> memref<1x1x128x64xf32, #tpu.memory_space<hbm>>
    %dma_wait3A_118 = tpu.memref_squeeze %dma_wait3A_117 : memref<1x1x128x64xf32, #tpu.memory_space<hbm>> -> memref<128x64xf32, #tpu.memory_space<hbm>>
    tpu.wait_dma2 semaphore(%arg10 : memref<!tpu.dma_semaphore, #tpu.memory_space<semaphore_mem>>) src(%arg8 : memref<128x64xf32, #tpu.memory_space<vmem>>) dst(%dma_wait3A_118 : memref<128x64xf32, #tpu.memory_space<hbm>>)
    %dma_wait3A_119 = arith.constant 384 : i32
    %dma_wait3A_120 = arith.constant 0 : i32
    %dma_wait3A_121 = tpu.memref_slice %arg4[%select_n3A, %mul3A_32, %dma_wait3A_119, %dma_wait3A_120] : memref<2x512x512x128xf32, #tpu.memory_space<hbm>> -> memref<1x1x128x64xf32, #tpu.memory_space<hbm>>
    %dma_wait3A_122 = tpu.memref_squeeze %dma_wait3A_121 : memref<1x1x128x64xf32, #tpu.memory_space<hbm>> -> memref<128x64xf32, #tpu.memory_space<hbm>>
    %dma_wait3A_123 = arith.constant 384 : i32
    %dma_wait3A_124 = arith.constant 0 : i32
    %dma_wait3A_125 = tpu.memref_slice %arg4[%select_n3A, %mul3A_32, %dma_wait3A_123, %dma_wait3A_124] : memref<2x512x512x128xf32, #tpu.memory_space<hbm>> -> memref<1x1x128x64xf32, #tpu.memory_space<hbm>>
    %dma_wait3A_126 = tpu.memref_squeeze %dma_wait3A_125 : memref<1x1x128x64xf32, #tpu.memory_space<hbm>> -> memref<128x64xf32, #tpu.memory_space<hbm>>
    tpu.wait_dma2 semaphore(%arg10 : memref<!tpu.dma_semaphore, #tpu.memory_space<semaphore_mem>>) src(%arg8 : memref<128x64xf32, #tpu.memory_space<vmem>>) dst(%dma_wait3A_126 : memref<128x64xf32, #tpu.memory_space<hbm>>)
    %scan3A_127 = arith.constant 0 : i32
    %scan3A_128 = arith.constant 32 : i32
    %scan3A_129 = arith.addi %scan3A_127, %scan3A_128 : i32
    %scan3A_130 = arith.constant 1 : i32
    scf.for %scan3A_132 = %scan3A_127 to %scan3A_129 step %scan3A_130  : i32 {
      %mul3A_133 = arith.constant 1 : i32
      %mul3A_134 = arith.muli %scan3A_132, %mul3A_133 : i32
      %add3A_135 = arith.constant 0 : i32
      %add3A_136 = arith.addi %add3A_135, %mul3A_134 : i32
      %dma_wait3A_137 = arith.constant 0 : i32
      %dma_wait3A_138 = arith.constant 64 : i32
      %dma_wait3A_139 = tpu.memref_slice %arg4[%select_n3A, %mul3A_32, %dma_wait3A_137, %dma_wait3A_138] : memref<2x512x512x128xf32, #tpu.memory_space<hbm>> -> memref<1x1x512x64xf32, #tpu.memory_space<hbm>>
      %dma_wait3A_140 = tpu.memref_squeeze %dma_wait3A_139 : memref<1x1x512x64xf32, #tpu.memory_space<hbm>> -> memref<512x64xf32, #tpu.memory_space<hbm>>
      %dma_wait3A_141 = arith.constant 0 : i32
      %dma_wait3A_142 = arith.constant 64 : i32
      %dma_wait3A_143 = tpu.memref_slice %arg4[%select_n3A, %mul3A_32, %dma_wait3A_141, %dma_wait3A_142] : memref<2x512x512x128xf32, #tpu.memory_space<hbm>> -> memref<1x1x512x64xf32, #tpu.memory_space<hbm>>
      %dma_wait3A_144 = tpu.memref_squeeze %dma_wait3A_143 : memref<1x1x512x64xf32, #tpu.memory_space<hbm>> -> memref<512x64xf32, #tpu.memory_space<hbm>>
      tpu.wait_dma2 semaphore(%arg11 : memref<!tpu.dma_semaphore, #tpu.memory_space<semaphore_mem>>) src(%arg6 : memref<512x64xf32, #tpu.memory_space<vmem>>) dst(%dma_wait3A_144 : memref<512x64xf32, #tpu.memory_space<hbm>>)
    }
    %scan3A_131 = arith.constant 32 : i32
    return
  }
}

</mosaic_0001>

<sc_bundles>
// kernel: kernel.3.cloned.1.call-start
scs
__scs_entry_jumppad:
0x0: {  	(pc) =	sbr.rel $0x88, $3  }
0x1: {  	(tag) =	ssettag $0x0;
	lr =	simm.s32 $0x1  }
0x2: {  	[smem:$0x3F9F] =	sst lr;
	_ =	strace $0xD0000000  }
0x3: {  	_ = 	snop  }
0x4: {  	_ = 	snop  }
0x5: {  	_ = 	snop  }
0x6: {  	_ = 	snop  }
0x7: {  	_ = 	snop  }
__scs_overlays_trampoline_lowered:
0x8: {  	[smem:$0x3FAE] =	sst s0  }
0x9: {  	[smem:$0x3FAF] =	sst s1  }
0xa: {  	[smem:$0x3FB0] =	sst s2  }
0xb: {  	[smem:$0x3FB1] =	sst s3  }
0xc: {  	[smem:$0x3FB2] =	sst s4  }
0xd: {  	[smem:$0x3FB3] =	sst s5  }
0xe: {  	[smem:$0x3FB4] =	sst s6  }
0xf: {  	[smem:$0x3FB5] =	sst s7  }
0x10: {  	[smem:$0x3FB6] =	sst s8  }
0x11: {  	[smem:$0x3FB7] =	sst s9;
	s0 =	simm.s32 @!p0 $0x0  }
0x12: {  	s1 =	sld [smem:$0x3F9D];
	s0 =	simm.s32 @p0 $0x1  }
0x13: {  	[smem:$0x3FB8] =	sst s0;
	s0 =	simm.s32 @!p1 $0x0  }
0x14: {  	s2 =	sld [smem:$0x3F9C];
	s0 =	simm.s32 @p1 $0x1  }
0x15: {  	[smem:$0x3FB9] =	sst s0;
	s0 =	simm.s32 @!p2 $0x0  }
0x16: {  	s3 =	sld [smem:$0x3FDB];
	s0 =	simm.s32 @p2 $0x1  }
0x17: {  	s4 =	simm.s32 $0x1BF5;
	[smem:$0x3FBB] =	sst s0  }
0x18: {  	s0 =	sld [smem:$0x3F9E];
	_ =	swait.ge [sflag:s4], $0x0  }
0x19: {  	s7 =	sld [smem:$0x3F9F]  }
0x1a: {  	s8 =	sadd.s32 $0xFFFFE003, lr  }
0x1b: {  	s9 =	sadd.s32 $0xFFFFFEF7, lr;
	s5 =	simm.s32 $0xFFFFFFFF;
	p2 =	slt.u32 s8, $0xFFFFF086  }
0x1c: {  	p1 =	slt.u32 s9, $0xF7A;
	s5 =	simm.s32 @!p2 $0x0  }
0x1d: {  	s5 =	simm.s32 @p1 $0x1;
	p0 =	seq.s32 s7, s2  }
0x1e: {  	s7 =	smul.u32 @!p0 $0xF7A, s2;
	p2 =	seq.s32 @!p0 s5, $0x0  }
0x1f: {  	s9 =	smul.u32 $0xF7A, s1;
	s8 =	simm.s32 @!p0 $0x1BF5;
	p2 =	por !p2, p0  }
0x20: {  	[sflag:s8] =	ssyncset.s32 @!p0 $0xFFFFF086;
	s6 =	sadd.s32 @!p0 s3, s7;
	s7 =	simm.s32 @!p0 $0x108  }
0x21: {  	s3 =	sadd.s32 s3, s9;
	s6 =	sadd.s32 @!p0 $0x88, s6;
	s7 =	simm.s32 @p2 $0x1082  }
0x22: {  	[simem:s7], [sflag:s8] =	dma.local @!p0 [hbm:s6], $0xF7A  }
0x23: {  	s9 =	sor.u32 $0xD0000000, s2;
	s6 =	simm.s32 $0x108;
	_ =	swait.ge @!p0 [sflag:s8], $0x0  }
0x24: {  	s3 =	sadd.s32 $0x88, s3;
	s6 =	simm.s32 @!p1 $0x1082;
	[sflag:s4] =	ssyncset.s32 $0xFFFFF086  }
0x25: {  	[simem:s6], [sflag:s4] =	dma.local [hbm:s3], $0xF7A  }
0x26: {  	[smem:$0x3F9F] =	sst s1;
	(tag) =	ssettag s2;
	_ =	strace s9  }
0x27: {  	s1 =	sld [smem:$0x3FAF]  }
0x28: {  	s2 =	sld [smem:$0x3FB0]  }
0x29: {  	s4 =	sld [smem:$0x3FB2]  }
0x2a: {  	p0 =	seq.s32 s5, $0x0;
	s5 =	sld [smem:$0x3FB3]  }
0x2b: {  	s6 =	sld [smem:$0x3FB4]  }
0x2c: {  	s7 =	sld [smem:$0x3FB5]  }
0x2d: {  	s3 =	simm.s32 $0x108;
	s8 =	sld [smem:$0x3FB6]  }
0x2e: {  	s3 =	simm.s32 @!p0 $0x1082;
	s9 =	sld [smem:$0x3FB7]  }
0x2f: {  	lr =	sadd.s32 s0, s3;
	s0 =	sld [smem:$0x3FAE]  }
0x30: {  	s3 =	sld [smem:$0x3FB1]  }
0x31: {  	[smem:$0x3FBA] =	sst s10  }
0x32: {  	s10 =	sld [smem:$0x3FB8];
	_ =	sdelay $0x3  }
0x33: {  	p0 =	seq.s32 s10, $0x1;
	s10 =	sld [smem:$0x3FBA];
	_ =	sdelay $0x3  }
0x34: {  	[smem:$0x3FBA] =	sst s10  }
0x35: {  	s10 =	sld [smem:$0x3FB9];
	_ =	sdelay $0x3  }
0x36: {  	p1 =	seq.s32 s10, $0x1;
	s10 =	sld [smem:$0x3FBA];
	_ =	sdelay $0x3  }
0x37: {  	[smem:$0x3FBA] =	sst s10  }
0x38: {  	s10 =	sld [smem:$0x3FBB]  }
0x39: {  	_ = 	snop;
	(pc) =	sbr.ind lr, $3  }
0x3a: {  	_ = 	snop  }
0x3b: {  	_ = 	snop  }
0x3c: {  	p2 =	seq.s32 s10, $0x1;
	s10 =	sld [smem:$0x3FBA]  }
0x3d: {  	_ =	shalt  }
0x3e: {  	_ =	shalt  }
0x3f: {  	_ =	shalt  }
0x40: {  	_ =	shalt  }
0x41: {  	_ =	shalt  }
0x42: {  	_ =	shalt  }
0x43: {  	_ =	shalt  }
0x44: {  	_ =	shalt  }
0x45: {  	_ =	shalt  }
0x46: {  	_ =	shalt  }
0x47: {  	_ =	shalt  }
0x48: {  	_ =	shalt  }
0x49: {  	_ =	shalt  }
0x4a: {  	_ =	shalt  }
0x4b: {  	_ =	shalt  }
0x4c: {  	_ =	shalt  }
0x4d: {  	_ =	shalt  }
0x4e: {  	_ =	shalt  }
0x4f: {  	_ =	shalt  }
0x50: {  	_ =	shalt  }
0x51: {  	_ =	shalt  }
0x52: {  	_ =	shalt  }
0x53: {  	_ =	shalt  }
0x54: {  	_ =	shalt  }
0x55: {  	_ =	shalt  }
0x56: {  	_ =	shalt  }
0x57: {  	_ =	shalt  }
0x58: {  	_ =	shalt  }
0x59: {  	_ =	shalt  }
0x5a: {  	_ =	shalt  }
0x5b: {  	_ =	shalt  }
0x5c: {  	_ =	shalt  }
0x5d: {  	_ =	shalt  }
0x5e: {  	_ =	shalt  }
0x5f: {  	_ =	shalt  }
0x60: {  	_ =	shalt  }
0x61: {  	_ =	shalt  }
0x62: {  	_ =	shalt  }
0x63: {  	_ =	shalt  }
0x64: {  	_ =	shalt  }
0x65: {  	_ =	shalt  }
0x66: {  	_ =	shalt  }
0x67: {  	_ =	shalt  }
0x68: {  	_ =	shalt  }
0x69: {  	_ =	shalt  }
0x6a: {  	_ =	shalt  }
0x6b: {  	_ =	shalt  }
0x6c: {  	_ =	shalt  }
0x6d: {  	_ =	shalt  }
0x6e: {  	_ =	shalt  }
0x6f: {  	_ =	shalt  }
0x70: {  	_ =	shalt  }
0x71: {  	_ =	shalt  }
0x72: {  	_ =	shalt  }
0x73: {  	_ =	shalt  }
0x74: {  	_ =	shalt  }
0x75: {  	_ =	shalt  }
0x76: {  	_ =	shalt  }
0x77: {  	_ =	shalt  }
0x78: {  	_ =	shalt  }
0x79: {  	_ =	shalt  }
0x7a: {  	_ =	shalt  }
0x7b: {  	_ =	shalt  }
0x7c: {  	_ =	shalt  }
0x7d: {  	_ =	shalt  }
0x7e: {  	_ =	shalt  }
0x7f: {  	_ =	shalt  }
0x80: {  	_ =	shalt  }
0x81: {  	_ =	shalt  }
0x82: {  	_ =	shalt  }
0x83: {  	_ =	shalt  }
0x84: {  	_ =	shalt  }
0x85: {  	_ =	shalt  }
0x86: {  	_ =	shalt  }
0x87: {  	_ =	shalt  }
.Lfunc_end0:
.L_simem_size_0:
called_computation_lowered:
.L_overlay_start_0:
0x88: {  	s2 =	sld [smem:$0x3FD9]  }
0x89: {  	s3 =	sld [smem:$0x3FFE];
	_ =	sdelay $0x1  }
0x8a: {  	s1 =	srdreg.scid  }
0x8b: {  	s0 =	sand.u32 $0x1, s1  }
0x8c: {  	s17 =	sshll.u32 s0, $0xA;
	s2 =	sadd.s32 s3, s2  }
0x8d: {  	s2 =	sadd.s32 s2, s17  }
0x8e: {  	[smem:$0x3FC6] =	sst s2  }
0x8f: {  	_ = 	snop  }
0x90: {  	s2 =	sld [smem:$0x3FD0];
	(tm) =	ssettm $0x1  }
0x91: {  	s18 =	sld [smem:$0x3FFB];
	_ =	sdelay $0x3  }
0x92: {  	_ =	strace s18  }
0x93: {  	s3 =	sld [smem:$0x3FFC];
	_ =	sdelay $0x3  }
0x94: {  	_ =	strace s3  }
0x95: {  	s3 =	sld [smem:$0x3FFD];
	_ =	sdelay $0x3  }
0x96: {  	_ =	strace s3  }
0x97: {  	_ =	strace $0x8FFFFFFF  }
0x98: {  	s19 =	sld [smem:$0x3FDB];
	_ =	sdelay $0x1  }
0x99: {  	s4 =	simm.s32 $_scs_section_size  }
0x9a: {  	s5 =	simm.s32 $_size__tile_overlayer_lowered;
	s6 =	simm.s32 $_tile_overlayer_lowered  }
0x9b: {  	s22 =	simm.s32 $0x1BFF;
	s21 =	sshll.u32 s6, $0x1;
	s3 =	sadd.s32 s4, s19  }
0x9c: {  	s7 =	simm.s32 $0x0;
	s20 =	sshll.u32 s5, $0x1;
	s5 =	sadd.s32 s21, s3  }
0x9d: {  	[timem:s7], [sflag:s22] =	dma.local [hbm:s5], s20  }
0x9e: {  	_ =	swait.ge [sflag:s22], s20  }
0x9f: {  	s4 =	ssub.s32 $0x0, s20;
	[sflag:s22] =	ssyncset.done $0x0  }
0xa0: {  	[sflag:s22] =	ssyncadd.s32 s4;
	_ =	sdelay $0x1  }
0xa1: {  	s23 =	simm.s32 $0x1B8B  }
0xa2: {  	_ =	swait.ge [sflag:s23], $0x1  }
0xa3: {  	[sflag:s23] =	ssyncset.done $0x0  }
0xa4: {  	s25 =	simm.s32 $0x1B8E;
	s24 =	sld [smem:$0x3FFE];
	[sflag:s23] =	ssyncadd.s32 $0xFFFFFFFF  }
0xa5: {  	s26 =	simm.s32 $execute0_lowered;
	[smem:$0x3FD2] =	sst s25  }
0xa6: {  	s5 =	sshll.u32 s26, $0x1;
	_ =	strace $0x80000046;
	[dreg:$0x1] =	wrdreg $0xFFFFFFFF  }
0xa7: {  	s28 =	simm.s32 $_size_execute0_lowered;
	s3 =	sadd.s32 s3, s5;
	[dreg:$0x0] =	wrdreg $0x0  }
0xa8: {  	s5 =	sshll.u32 s28, $0x1;
	[dreg:$0x2] =	wrdreg s3  }
0xa9: {  	[dreg:$0x3] =	wrdreg s5  }
0xaa: {  	[dreg:$0x4] =	wrdreg $0xC0  }
0xab: {  	_ =	task [dreg:s7], $0x5FFFF  }
0xac: {  	[dreg:$0x1] =	wrdreg $0xFFFFFFFF  }
0xad: {  	[dreg:$0x0] =	wrdreg $0x60  }
0xae: {  	[dreg:$0x2] =	wrdreg s24  }
0xaf: {  	[dreg:$0x3] =	wrdreg s2  }
0xb0: {  	[dreg:$0x4] =	wrdreg $0x9  }
0xb1: {  	_ =	task.clear_ibuf [dreg:s7], $0x5FFFF;
	_ =	strace $0x90000046  }
0xb2: {  	s29 =	simm.s32 $0x9;
	_ =	strace $0x80000048  }
0xb3: {  	_ =	swait.ge [sflag:s29], $0x1  }
0xb4: {  	[sflag:s29] =	ssyncadd.s32 $0xFFFFFFFF  }
0xb5: {  	_ =	strace $0x90000048  }
0xb6: {  	_ =	sfence  }
0xb7: {  	s30 =	sld [smem:$0x0];
	_ =	sdelay $0x2  }
0xb8: {  	s31 =	sshll.u32 s1, $0xD;
	s1 =	sshrl.u32 s1, $0x2  }
0xb9: {  	s3 =	sand.u32 $0x4000, s31;
	s1 =	sadd.s32 s1, s30  }
0xba: {  	s0 =	sor.u32 s3, s0;
	s1 =	sshll.u32 s1, $0x11  }
0xbb: {  	s0 =	sor.u32 s1, s0  }
0xbc: {  	s0 =	sadd.s32 $0x8F2B, s0  }
0xbd: {  	[sflag:s0] =	ssyncadd.remote.s32 $0x1  }
0xbe: {  	_ =	sfence.sel $0xFFFF  }
0xbf: {  	[dreg:$0x0] =	wrdreg $0xFFFFFFFF;
	(pc) =	sbr.abs _section_cstart, $3  }
0xc0: {  	[dreg:$0x1] =	wrdreg $0xFFFFFFFF  }
0xc1: {  	_ =	task.clear_ibuf [dreg:s7], $0x2FFFF;
	_ =	strace $0x9FFFFFFF  }
0xc2: {  	(tm) =	ssettm $0x7FFFFFFF  }
0xc3: {  	_ =	shalt  }
tec
execute0_lowered:
.L_overlay_start_1:
0x0: {  	(tag) =	ssettag $0x1  }
0x1: {  	s4 =	rddreg [dreg:$0x0]  }
0x2: {  	s2 =	rddreg [dreg:$0x1]  }
0x3: {  	s0 =	rddreg [dreg:$0x2];
	s3 =	simm.s32 $0x0;
	s1 =	stileid.u32  }
0x4: {  	s5 =	srdreg.scid;
	s13 =	simm.s32 $0x800;
	s14 =	simm.s32 $0x1  }
0x5: {  	s15 =	simm.s32 $0x2;
	s16 =	simm.s32 $0x40;
	s17 =	simm.s32 $0x80  }
0x6: {  	s18 =	simm.s32 $0x8800;
	s19 =	simm.s32 $0xA800;
	s20 =	simm.s32 $0x3  }
0x7: {  	s21 =	simm.s32 $0x0;
	[smem:$0x7FF] =	sst s3;
	s6 =	sshll.u32 s1, $0x1  }
0x8: {  	s7 =	sshrl.u32 s1, $0x3;
	s5 =	sand.u32 $0x1, s5;
	s10 =	sadd.s32 $0x1000, s2  }
0x9: {  	s11 =	sadd.s32 $0x1800, s2;
	s6 =	sand.u32 $0xE, s6;
	s8 =	sshll.u32 s7, $0xC  }
0xa: {  	s9 =	ssub.s32 $0x2, s5;
	_ =	strace $0x80000047;
	s7 =	sshll.u32 s7, $0x19  }
0xb: {  	s5 =	sor.u32 s5, s6;
	s29 =	sadd.s32 s8, s4;
	s30 =	sshrl.u32 s9, $0x1  }
0xc: {  	s31 =	sshll.u32 s5, $0x8;
	s12 =	ssub.s32 s9, s30;
	s4 =	sshll.u32 s5, $0x5  }
0xd: {  	s6 =	sadd.s32 $0x2400, s29;
	s9 =	sadd.s32 $0x800, s2;
	s8 =	sadd.s32 s31, s29  }
0xe: {  	s12 =	smax.u32 s12, $0x1;
	s5 =	sadd.s32 $0x400, s8;
	s8 =	sadd.s32 $0x8, s2  }
.LBB2_1:
0xf: {  	[tilespmem:s3], [sflag:$0x1] =	stream.linear.gather [hbm4b:s5+s3], $0x800, $0x38;
	[tilespmem:$0xC800] =	vst v63  }
0x10: {  	_ = 	snop  }
0x11: {  	[tilespmem:s13], [sflag:$0x2] =	stream.linear.gather [hbm4b:s6+s3], $0x8000, $0x38;
	[tilespmem:$0xC800] =	vst v63  }
0x12: {  	_ =	swait.ge [sflag:s14], $0x800  }
0x13: {  	[sflag:s14] =	ssyncset.done $0x0  }
0x14: {  	[sflag:s14] =	ssyncadd.s32 $0xFFFFF800  }
0x15: {  	_ =	swait.ge [sflag:s15], $0x8000  }
0x16: {  	[sflag:s15] =	ssyncset.done $0x0  }
0x17: {  	s22 =	simm.s32 $0x0;
	[sflag:s15] =	ssyncadd.s32 $0xFFFF8000  }
.LBB2_2:
0x18: {  	s23 =	sshll.u32 s22, $0x1  }
0x19: {  	s24 =	sadd.s32 s4, s23  }
0x1a: {  	s24 =	sshll.u32 s24, $0x10  }
0x1b: {  	s24 =	sadd.s32 s7, s24  }
0x1c: {  	s24 =	sshrl.u32 s24, $0x3  }
0x1d: {  	p0 =	seq.s32 s22, $0x0;
	s25 =	sadd.s32 s24, s8  }
0x1e: {  	[hbm4b:s25+s16] =	stream.strided.scatter [tilespmem:s13], [sflag:$0x3], $0x8000, s17, s16, $0x38;
	[tilespmem:$0xC800] =	vst v63  }
0x1f: {  	s25 =	simm.s32 @!p0 $0x1  }
0x20: {  	_ =	swait.ge @!p0 [sflag:s25], $0x2000  }
0x21: {  	[sflag:s25] =	ssyncset.done @!p0 $0x0  }
0x22: {  	[sflag:s25] =	ssyncadd.s32 @!p0 $0xFFFFE000  }
0x23: {  	_ =	swait.ge @!p0 [sflag:s25], $0x2000  }
0x24: {  	[sflag:s25] =	ssyncset.done @!p0 $0x0  }
0x25: {  	[sflag:s25] =	ssyncadd.s32 @!p0 $0xFFFFE000  }
0x26: {  	_ =	swait.ge @!p0 [sflag:s25], $0x2000  }
0x27: {  	[sflag:s25] =	ssyncset.done @!p0 $0x0  }
0x28: {  	[sflag:s25] =	ssyncadd.s32 @!p0 $0xFFFFE000  }
0x29: {  	_ =	swait.ge @!p0 [sflag:s25], $0x2000  }
0x2a: {  	s26 =	sshll.u32 s22, $0x7;
	[sflag:s25] =	ssyncset.done @!p0 $0x0  }
0x2b: {  	s31 =	sand.u32 $0x3FFFFF80, s26;
	[sflag:s25] =	ssyncadd.s32 @!p0 $0xFFFFE000  }
0x2c: {  	v0 =	vld [tilespmem:s31+$0x0]  }
0x2d: {  	v1 =	vld [tilespmem:s31+$0x30]  }
0x2e: {  	v3 =	vld [tilespmem:s31+$0x20]  }
0x2f: {  	v2 =	vld [tilespmem:s31+$0x10]  }
0x30: {  	s25 =	simm.s32 $0x8A00  }
0x31: {  	[tilespmem:s25+$0xFFFFFE00] =	vst v0  }
0x32: {  	[tilespmem:s25+$0x1F0] =	vst v1  }
0x33: {  	[tilespmem:s25+$0x1E0] =	vst v3  }
0x34: {  	[tilespmem:s25+$0x1D0] =	vst v2  }
0x35: {  	[tilespmem:s25+$0x1C0] =	vst v0  }
0x36: {  	[tilespmem:s25+$0x1B0] =	vst v1  }
0x37: {  	[tilespmem:s25+$0x1A0] =	vst v3  }
0x38: {  	[tilespmem:s25+$0x190] =	vst v2  }
0x39: {  	[tilespmem:s25+$0x180] =	vst v0  }
0x3a: {  	[tilespmem:s25+$0x170] =	vst v1  }
0x3b: {  	[tilespmem:s25+$0x160] =	vst v3  }
0x3c: {  	[tilespmem:s25+$0x150] =	vst v2  }
0x3d: {  	[tilespmem:s25+$0x140] =	vst v0  }
0x3e: {  	[tilespmem:s25+$0x130] =	vst v1  }
0x3f: {  	[tilespmem:s25+$0x120] =	vst v3  }
0x40: {  	[tilespmem:s25+$0x110] =	vst v2  }
0x41: {  	[tilespmem:s25+$0x100] =	vst v0  }
0x42: {  	[tilespmem:s25+$0xF0] =	vst v1  }
0x43: {  	[tilespmem:s25+$0xE0] =	vst v3  }
0x44: {  	[tilespmem:s25+$0xD0] =	vst v2  }
0x45: {  	[tilespmem:s25+$0xC0] =	vst v0  }
0x46: {  	[tilespmem:s25+$0xB0] =	vst v1  }
0x47: {  	[tilespmem:s25+$0xA0] =	vst v3  }
0x48: {  	[tilespmem:s25+$0x90] =	vst v2  }
0x49: {  	[tilespmem:s25+$0x80] =	vst v0  }
0x4a: {  	[tilespmem:s25+$0x70] =	vst v1  }
0x4b: {  	[tilespmem:s25+$0x60] =	vst v3  }
0x4c: {  	[tilespmem:s25+$0x50] =	vst v2  }
0x4d: {  	[tilespmem:s25+$0x40] =	vst v0  }
0x4e: {  	[tilespmem:s25+$0x30] =	vst v1  }
0x4f: {  	[tilespmem:s25+$0x20] =	vst v3  }
0x50: {  	[tilespmem:s25+$0x10] =	vst v2  }
0x51: {  	[tilespmem:s25+$0x0] =	vst v0  }
0x52: {  	[tilespmem:s25+$0xFFFFFFF0] =	vst v1  }
0x53: {  	[tilespmem:s25+$0xFFFFFFE0] =	vst v3  }
0x54: {  	[tilespmem:s25+$0xFFFFFFD0] =	vst v2  }
0x55: {  	[tilespmem:s25+$0xFFFFFFC0] =	vst v0  }
0x56: {  	[tilespmem:s25+$0xFFFFFFB0] =	vst v1  }
0x57: {  	[tilespmem:s25+$0xFFFFFFA0] =	vst v3  }
0x58: {  	[tilespmem:s25+$0xFFFFFF90] =	vst v2  }
0x59: {  	[tilespmem:s25+$0xFFFFFF80] =	vst v0  }
0x5a: {  	[tilespmem:s25+$0xFFFFFF70] =	vst v1  }
0x5b: {  	[tilespmem:s25+$0xFFFFFF60] =	vst v3  }
0x5c: {  	[tilespmem:s25+$0xFFFFFF50] =	vst v2  }
0x5d: {  	[tilespmem:s25+$0xFFFFFF40] =	vst v0  }
0x5e: {  	[tilespmem:s25+$0xFFFFFF30] =	vst v1  }
0x5f: {  	[tilespmem:s25+$0xFFFFFF20] =	vst v3  }
0x60: {  	[tilespmem:s25+$0xFFFFFF10] =	vst v2  }
0x61: {  	[tilespmem:s25+$0xFFFFFF00] =	vst v0  }
0x62: {  	[tilespmem:s25+$0xFFFFFEF0] =	vst v1  }
0x63: {  	[tilespmem:s25+$0xFFFFFEE0] =	vst v3  }
0x64: {  	[tilespmem:s25+$0xFFFFFED0] =	vst v2  }
0x65: {  	[tilespmem:s25+$0xFFFFFEC0] =	vst v0  }
0x66: {  	[tilespmem:s25+$0xFFFFFEB0] =	vst v1  }
0x67: {  	[tilespmem:s25+$0xFFFFFEA0] =	vst v3  }
0x68: {  	[tilespmem:s25+$0xFFFFFE90] =	vst v2  }
0x69: {  	[tilespmem:s25+$0xFFFFFE80] =	vst v0  }
0x6a: {  	[tilespmem:s25+$0xFFFFFE70] =	vst v1  }
0x6b: {  	[tilespmem:s25+$0xFFFFFE60] =	vst v3  }
0x6c: {  	[tilespmem:s25+$0xFFFFFE50] =	vst v2  }
0x6d: {  	[tilespmem:s25+$0xFFFFFE40] =	vst v0  }
0x6e: {  	[tilespmem:s25+$0xFFFFFE30] =	vst v1  }
0x6f: {  	s26 =	simm.s32 $0x0;
	[tilespmem:s25+$0xFFFFFE20] =	vst v3  }
.LBB2_3:
0x70: {  	s26 =	sadd.s32 $0x10, s26;
	[tilespmem:s25+$0xFFFFFE10] =	vst v2;
	s25 =	sadd.s32 $0x400, s25  }
0x71: {  	[tilespmem:s25+$0xFFFFFE00] =	vst v0;
	p1 =	slt.u32 s26, $0x70  }
0x72: {  	[tilespmem:s25+$0x1F0] =	vst v1  }
0x73: {  	[tilespmem:s25+$0x1E0] =	vst v3  }
0x74: {  	[tilespmem:s25+$0x1D0] =	vst v2  }
0x75: {  	[tilespmem:s25+$0x1C0] =	vst v0  }
0x76: {  	[tilespmem:s25+$0x1B0] =	vst v1  }
0x77: {  	[tilespmem:s25+$0x1A0] =	vst v3  }
0x78: {  	[tilespmem:s25+$0x190] =	vst v2  }
0x79: {  	[tilespmem:s25+$0x180] =	vst v0  }
0x7a: {  	[tilespmem:s25+$0x170] =	vst v1  }
0x7b: {  	[tilespmem:s25+$0x160] =	vst v3  }
0x7c: {  	[tilespmem:s25+$0x150] =	vst v2  }
0x7d: {  	[tilespmem:s25+$0x140] =	vst v0  }
0x7e: {  	[tilespmem:s25+$0x130] =	vst v1  }
0x7f: {  	[tilespmem:s25+$0x120] =	vst v3  }
0x80: {  	[tilespmem:s25+$0x110] =	vst v2  }
0x81: {  	[tilespmem:s25+$0x100] =	vst v0  }
0x82: {  	[tilespmem:s25+$0xF0] =	vst v1  }
0x83: {  	[tilespmem:s25+$0xE0] =	vst v3  }
0x84: {  	[tilespmem:s25+$0xD0] =	vst v2  }
0x85: {  	[tilespmem:s25+$0xC0] =	vst v0  }
0x86: {  	[tilespmem:s25+$0xB0] =	vst v1  }
0x87: {  	[tilespmem:s25+$0xA0] =	vst v3  }
0x88: {  	[tilespmem:s25+$0x90] =	vst v2  }
0x89: {  	[tilespmem:s25+$0x80] =	vst v0  }
0x8a: {  	[tilespmem:s25+$0x70] =	vst v1  }
0x8b: {  	[tilespmem:s25+$0x60] =	vst v3  }
0x8c: {  	[tilespmem:s25+$0x50] =	vst v2  }
0x8d: {  	[tilespmem:s25+$0x40] =	vst v0  }
0x8e: {  	[tilespmem:s25+$0x30] =	vst v1  }
0x8f: {  	[tilespmem:s25+$0x20] =	vst v3  }
0x90: {  	[tilespmem:s25+$0x10] =	vst v2  }
0x91: {  	[tilespmem:s25+$0x0] =	vst v0  }
0x92: {  	[tilespmem:s25+$0xFFFFFFF0] =	vst v1  }
0x93: {  	[tilespmem:s25+$0xFFFFFFE0] =	vst v3  }
0x94: {  	[tilespmem:s25+$0xFFFFFFD0] =	vst v2  }
0x95: {  	[tilespmem:s25+$0xFFFFFFC0] =	vst v0  }
0x96: {  	[tilespmem:s25+$0xFFFFFFB0] =	vst v1  }
0x97: {  	[tilespmem:s25+$0xFFFFFFA0] =	vst v3  }
0x98: {  	[tilespmem:s25+$0xFFFFFF90] =	vst v2  }
0x99: {  	[tilespmem:s25+$0xFFFFFF80] =	vst v0  }
0x9a: {  	[tilespmem:s25+$0xFFFFFF70] =	vst v1  }
0x9b: {  	[tilespmem:s25+$0xFFFFFF60] =	vst v3  }
0x9c: {  	[tilespmem:s25+$0xFFFFFF50] =	vst v2  }
0x9d: {  	[tilespmem:s25+$0xFFFFFF40] =	vst v0  }
0x9e: {  	[tilespmem:s25+$0xFFFFFF30] =	vst v1  }
0x9f: {  	[tilespmem:s25+$0xFFFFFF20] =	vst v3  }
0xa0: {  	[tilespmem:s25+$0xFFFFFF10] =	vst v2  }
0xa1: {  	[tilespmem:s25+$0xFFFFFF00] =	vst v0  }
0xa2: {  	[tilespmem:s25+$0xFFFFFEF0] =	vst v1  }
0xa3: {  	[tilespmem:s25+$0xFFFFFEE0] =	vst v3  }
0xa4: {  	[tilespmem:s25+$0xFFFFFED0] =	vst v2  }
0xa5: {  	[tilespmem:s25+$0xFFFFFEC0] =	vst v0  }
0xa6: {  	[tilespmem:s25+$0xFFFFFEB0] =	vst v1  }
0xa7: {  	[tilespmem:s25+$0xFFFFFEA0] =	vst v3  }
0xa8: {  	[tilespmem:s25+$0xFFFFFE90] =	vst v2  }
0xa9: {  	[tilespmem:s25+$0xFFFFFE80] =	vst v0  }
0xaa: {  	[tilespmem:s25+$0xFFFFFE70] =	vst v1  }
.Ltmp0:
0xab: {  	[tilespmem:s25+$0xFFFFFE60] =	vst v3;
	(pc) =	sbr.rel @p1 .LBB2_3-.Ltmp0, $4  }
0xac: {  	[tilespmem:s25+$0xFFFFFE50] =	vst v2  }
0xad: {  	[tilespmem:s25+$0xFFFFFE40] =	vst v0  }
0xae: {  	[tilespmem:s25+$0xFFFFFE30] =	vst v1  }
0xaf: {  	[tilespmem:s25+$0xFFFFFE20] =	vst v3  }
0xb0: {  	[tilespmem:s25+$0xFFFFFE10] =	vst v2;
	s31 =	sadd.s32 s2, s24;
	s30 =	sor.u32 $0x1, s23  }
0xb1: {  	[hbm4b:s31+s16] =	stream.strided.scatter [tilespmem:s18], [sflag:$0x1], $0x2000, s17, s16, $0x38;
	[tilespmem:$0xC800] =	vst v63  }
0xb2: {  	s23 =	sadd.s32 s4, s30  }
0xb3: {  	s26 =	sadd.s32 s24, s9;
	s23 =	sshll.u32 s23, $0x10  }
0xb4: {  	[hbm4b:s26+s16] =	stream.strided.scatter [tilespmem:s18], [sflag:$0x1], $0x2000, s17, s16, $0x38;
	[tilespmem:$0xC800] =	vst v63  }
0xb5: {  	s28 =	sadd.s32 s24, s10;
	s23 =	sadd.s32 s7, s23  }
0xb6: {  	[hbm4b:s28+s16] =	stream.strided.scatter [tilespmem:s18], [sflag:$0x1], $0x2000, s17, s16, $0x38;
	[tilespmem:$0xC800] =	vst v63  }
0xb7: {  	s29 =	sadd.s32 s24, s11;
	s23 =	sshrl.u32 s23, $0x3  }
0xb8: {  	[hbm4b:s29+s16] =	stream.strided.scatter [tilespmem:s18], [sflag:$0x1], $0x2000, s17, s16, $0x38;
	[tilespmem:$0xC800] =	vst v63  }
0xb9: {  	s25 =	simm.s32 @!p0 $0x2;
	s31 =	sadd.s32 s23, s8  }
0xba: {  	[hbm4b:s31+s16] =	stream.strided.scatter [tilespmem:s13], [sflag:$0x3], $0x8000, s17, s16, $0x38;
	[tilespmem:$0xC800] =	vst v63  }
0xbb: {  	_ =	swait.ge @!p0 [sflag:s25], $0x2000  }
0xbc: {  	[sflag:s25] =	ssyncset.done @!p0 $0x0  }
0xbd: {  	[sflag:s25] =	ssyncadd.s32 @!p0 $0xFFFFE000  }
0xbe: {  	_ =	swait.ge @!p0 [sflag:s25], $0x2000  }
0xbf: {  	[sflag:s25] =	ssyncset.done @!p0 $0x0  }
0xc0: {  	[sflag:s25] =	ssyncadd.s32 @!p0 $0xFFFFE000  }
0xc1: {  	_ =	swait.ge @!p0 [sflag:s25], $0x2000  }
0xc2: {  	[sflag:s25] =	ssyncset.done @!p0 $0x0  }
0xc3: {  	[sflag:s25] =	ssyncadd.s32 @!p0 $0xFFFFE000  }
0xc4: {  	_ =	swait.ge @!p0 [sflag:s25], $0x2000  }
0xc5: {  	s24 =	sshll.u32 s30, $0x6;
	[sflag:s25] =	ssyncset.done @!p0 $0x0  }
0xc6: {  	s24 =	sand.u32 $0x3FFFFFC0, s24;
	[sflag:s25] =	ssyncadd.s32 @!p0 $0xFFFFE000  }
0xc7: {  	v0 =	vld [tilespmem:s24+$0x0]  }
0xc8: {  	v1 =	vld [tilespmem:s24+$0x30]  }
0xc9: {  	v3 =	vld [tilespmem:s24+$0x20]  }
0xca: {  	v2 =	vld [tilespmem:s24+$0x10]  }
0xcb: {  	s24 =	simm.s32 $0xAA00  }
0xcc: {  	[tilespmem:s24+$0xFFFFFE00] =	vst v0  }
0xcd: {  	[tilespmem:s24+$0x1F0] =	vst v1  }
0xce: {  	[tilespmem:s24+$0x1E0] =	vst v3  }
0xcf: {  	[tilespmem:s24+$0x1D0] =	vst v2  }
0xd0: {  	[tilespmem:s24+$0x1C0] =	vst v0  }
0xd1: {  	[tilespmem:s24+$0x1B0] =	vst v1  }
0xd2: {  	[tilespmem:s24+$0x1A0] =	vst v3  }
0xd3: {  	[tilespmem:s24+$0x190] =	vst v2  }
0xd4: {  	[tilespmem:s24+$0x180] =	vst v0  }
0xd5: {  	[tilespmem:s24+$0x170] =	vst v1  }
0xd6: {  	[tilespmem:s24+$0x160] =	vst v3  }
0xd7: {  	[tilespmem:s24+$0x150] =	vst v2  }
0xd8: {  	[tilespmem:s24+$0x140] =	vst v0  }
0xd9: {  	[tilespmem:s24+$0x130] =	vst v1  }
0xda: {  	[tilespmem:s24+$0x120] =	vst v3  }
0xdb: {  	[tilespmem:s24+$0x110] =	vst v2  }
0xdc: {  	[tilespmem:s24+$0x100] =	vst v0  }
0xdd: {  	[tilespmem:s24+$0xF0] =	vst v1  }
0xde: {  	[tilespmem:s24+$0xE0] =	vst v3  }
0xdf: {  	[tilespmem:s24+$0xD0] =	vst v2  }
0xe0: {  	[tilespmem:s24+$0xC0] =	vst v0  }
0xe1: {  	[tilespmem:s24+$0xB0] =	vst v1  }
0xe2: {  	[tilespmem:s24+$0xA0] =	vst v3  }
0xe3: {  	[tilespmem:s24+$0x90] =	vst v2  }
0xe4: {  	[tilespmem:s24+$0x80] =	vst v0  }
0xe5: {  	[tilespmem:s24+$0x70] =	vst v1  }
0xe6: {  	[tilespmem:s24+$0x60] =	vst v3  }
0xe7: {  	[tilespmem:s24+$0x50] =	vst v2  }
0xe8: {  	[tilespmem:s24+$0x40] =	vst v0  }
0xe9: {  	[tilespmem:s24+$0x30] =	vst v1  }
0xea: {  	[tilespmem:s24+$0x20] =	vst v3  }
0xeb: {  	[tilespmem:s24+$0x10] =	vst v2  }
0xec: {  	[tilespmem:s24+$0x0] =	vst v0  }
0xed: {  	[tilespmem:s24+$0xFFFFFFF0] =	vst v1  }
0xee: {  	[tilespmem:s24+$0xFFFFFFE0] =	vst v3  }
0xef: {  	[tilespmem:s24+$0xFFFFFFD0] =	vst v2  }
0xf0: {  	[tilespmem:s24+$0xFFFFFFC0] =	vst v0  }
0xf1: {  	[tilespmem:s24+$0xFFFFFFB0] =	vst v1  }
0xf2: {  	[tilespmem:s24+$0xFFFFFFA0] =	vst v3  }
0xf3: {  	[tilespmem:s24+$0xFFFFFF90] =	vst v2  }
0xf4: {  	[tilespmem:s24+$0xFFFFFF80] =	vst v0  }
0xf5: {  	[tilespmem:s24+$0xFFFFFF70] =	vst v1  }
0xf6: {  	[tilespmem:s24+$0xFFFFFF60] =	vst v3  }
0xf7: {  	[tilespmem:s24+$0xFFFFFF50] =	vst v2  }
0xf8: {  	[tilespmem:s24+$0xFFFFFF40] =	vst v0  }
0xf9: {  	[tilespmem:s24+$0xFFFFFF30] =	vst v1  }
0xfa: {  	[tilespmem:s24+$0xFFFFFF20] =	vst v3  }
0xfb: {  	[tilespmem:s24+$0xFFFFFF10] =	vst v2  }
0xfc: {  	[tilespmem:s24+$0xFFFFFF00] =	vst v0  }
0xfd: {  	[tilespmem:s24+$0xFFFFFEF0] =	vst v1  }
0xfe: {  	[tilespmem:s24+$0xFFFFFEE0] =	vst v3  }
0xff: {  	[tilespmem:s24+$0xFFFFFED0] =	vst v2  }
0x100: {  	[tilespmem:s24+$0xFFFFFEC0] =	vst v0  }
0x101: {  	[tilespmem:s24+$0xFFFFFEB0] =	vst v1  }
0x102: {  	[tilespmem:s24+$0xFFFFFEA0] =	vst v3  }
0x103: {  	[tilespmem:s24+$0xFFFFFE90] =	vst v2  }
0x104: {  	[tilespmem:s24+$0xFFFFFE80] =	vst v0  }
0x105: {  	[tilespmem:s24+$0xFFFFFE70] =	vst v1  }
0x106: {  	[tilespmem:s24+$0xFFFFFE60] =	vst v3  }
0x107: {  	[tilespmem:s24+$0xFFFFFE50] =	vst v2  }
0x108: {  	[tilespmem:s24+$0xFFFFFE40] =	vst v0  }
0x109: {  	[tilespmem:s24+$0xFFFFFE30] =	vst v1  }
0x10a: {  	s25 =	simm.s32 $0x0;
	[tilespmem:s24+$0xFFFFFE20] =	vst v3  }
.LBB2_5:
0x10b: {  	s25 =	sadd.s32 $0x10, s25;
	[tilespmem:s24+$0xFFFFFE10] =	vst v2;
	s24 =	sadd.s32 $0x400, s24  }
0x10c: {  	[tilespmem:s24+$0xFFFFFE00] =	vst v0;
	p0 =	slt.u32 s25, $0x70  }
0x10d: {  	[tilespmem:s24+$0x1F0] =	vst v1  }
0x10e: {  	[tilespmem:s24+$0x1E0] =	vst v3  }
0x10f: {  	[tilespmem:s24+$0x1D0] =	vst v2  }
0x110: {  	[tilespmem:s24+$0x1C0] =	vst v0  }
0x111: {  	[tilespmem:s24+$0x1B0] =	vst v1  }
0x112: {  	[tilespmem:s24+$0x1A0] =	vst v3  }
0x113: {  	[tilespmem:s24+$0x190] =	vst v2  }
0x114: {  	[tilespmem:s24+$0x180] =	vst v0  }
0x115: {  	[tilespmem:s24+$0x170] =	vst v1  }
0x116: {  	[tilespmem:s24+$0x160] =	vst v3  }
0x117: {  	[tilespmem:s24+$0x150] =	vst v2  }
0x118: {  	[tilespmem:s24+$0x140] =	vst v0  }
0x119: {  	[tilespmem:s24+$0x130] =	vst v1  }
0x11a: {  	[tilespmem:s24+$0x120] =	vst v3  }
0x11b: {  	[tilespmem:s24+$0x110] =	vst v2  }
0x11c: {  	[tilespmem:s24+$0x100] =	vst v0  }
0x11d: {  	[tilespmem:s24+$0xF0] =	vst v1  }
0x11e: {  	[tilespmem:s24+$0xE0] =	vst v3  }
0x11f: {  	[tilespmem:s24+$0xD0] =	vst v2  }
0x120: {  	[tilespmem:s24+$0xC0] =	vst v0  }
0x121: {  	[tilespmem:s24+$0xB0] =	vst v1  }
0x122: {  	[tilespmem:s24+$0xA0] =	vst v3  }
0x123: {  	[tilespmem:s24+$0x90] =	vst v2  }
0x124: {  	[tilespmem:s24+$0x80] =	vst v0  }
0x125: {  	[tilespmem:s24+$0x70] =	vst v1  }
0x126: {  	[tilespmem:s24+$0x60] =	vst v3  }
0x127: {  	[tilespmem:s24+$0x50] =	vst v2  }
0x128: {  	[tilespmem:s24+$0x40] =	vst v0  }
0x129: {  	[tilespmem:s24+$0x30] =	vst v1  }
0x12a: {  	[tilespmem:s24+$0x20] =	vst v3  }
0x12b: {  	[tilespmem:s24+$0x10] =	vst v2  }
0x12c: {  	[tilespmem:s24+$0x0] =	vst v0  }
0x12d: {  	[tilespmem:s24+$0xFFFFFFF0] =	vst v1  }
0x12e: {  	[tilespmem:s24+$0xFFFFFFE0] =	vst v3  }
0x12f: {  	[tilespmem:s24+$0xFFFFFFD0] =	vst v2  }
0x130: {  	[tilespmem:s24+$0xFFFFFFC0] =	vst v0  }
0x131: {  	[tilespmem:s24+$0xFFFFFFB0] =	vst v1  }
0x132: {  	[tilespmem:s24+$0xFFFFFFA0] =	vst v3  }
0x133: {  	[tilespmem:s24+$0xFFFFFF90] =	vst v2  }
0x134: {  	[tilespmem:s24+$0xFFFFFF80] =	vst v0  }
0x135: {  	[tilespmem:s24+$0xFFFFFF70] =	vst v1  }
0x136: {  	[tilespmem:s24+$0xFFFFFF60] =	vst v3  }
0x137: {  	[tilespmem:s24+$0xFFFFFF50] =	vst v2  }
0x138: {  	[tilespmem:s24+$0xFFFFFF40] =	vst v0  }
0x139: {  	[tilespmem:s24+$0xFFFFFF30] =	vst v1  }
0x13a: {  	[tilespmem:s24+$0xFFFFFF20] =	vst v3  }
0x13b: {  	[tilespmem:s24+$0xFFFFFF10] =	vst v2  }
0x13c: {  	[tilespmem:s24+$0xFFFFFF00] =	vst v0  }
0x13d: {  	[tilespmem:s24+$0xFFFFFEF0] =	vst v1  }
0x13e: {  	[tilespmem:s24+$0xFFFFFEE0] =	vst v3  }
0x13f: {  	[tilespmem:s24+$0xFFFFFED0] =	vst v2  }
0x140: {  	[tilespmem:s24+$0xFFFFFEC0] =	vst v0  }
0x141: {  	[tilespmem:s24+$0xFFFFFEB0] =	vst v1  }
0x142: {  	[tilespmem:s24+$0xFFFFFEA0] =	vst v3  }
0x143: {  	[tilespmem:s24+$0xFFFFFE90] =	vst v2  }
0x144: {  	[tilespmem:s24+$0xFFFFFE80] =	vst v0  }
0x145: {  	[tilespmem:s24+$0xFFFFFE70] =	vst v1  }
.Ltmp1:
0x146: {  	[tilespmem:s24+$0xFFFFFE60] =	vst v3;
	(pc) =	sbr.rel @p0 .LBB2_5-.Ltmp1, $4  }
0x147: {  	[tilespmem:s24+$0xFFFFFE50] =	vst v2  }
0x148: {  	[tilespmem:s24+$0xFFFFFE40] =	vst v0  }
0x149: {  	[tilespmem:s24+$0xFFFFFE30] =	vst v1  }
0x14a: {  	[tilespmem:s24+$0xFFFFFE20] =	vst v3  }
0x14b: {  	[tilespmem:s24+$0xFFFFFE10] =	vst v2;
	s28 =	sadd.s32 s2, s23;
	s22 =	sadd.s32 $0x1, s22  }
0x14c: {  	[hbm4b:s28+s16] =	stream.strided.scatter [tilespmem:s19], [sflag:$0x2], $0x2000, s17, s16, $0x38;
	[tilespmem:$0xC800] =	vst v63  }
0x14d: {  	s29 =	sadd.s32 s23, s9;
	p0 =	sne.s32 s22, $0x10  }
0x14e: {  	[hbm4b:s29+s16] =	stream.strided.scatter [tilespmem:s19], [sflag:$0x2], $0x2000, s17, s16, $0x38;
	[tilespmem:$0xC800] =	vst v63  }
.Ltmp2:
0x14f: {  	_ = 	snop;
	(pc) =	sbr.rel @p0 .LBB2_2-.Ltmp2, $4  }
0x150: {  	s30 =	sadd.s32 s23, s10  }
0x151: {  	[hbm4b:s30+s16] =	stream.strided.scatter [tilespmem:s19], [sflag:$0x2], $0x2000, s17, s16, $0x38;
	[tilespmem:$0xC800] =	vst v63  }
0x152: {  	s31 =	sadd.s32 s23, s11  }
0x153: {  	[hbm4b:s31+s16] =	stream.strided.scatter [tilespmem:s19], [sflag:$0x2], $0x2000, s17, s16, $0x38;
	[tilespmem:$0xC800] =	vst v63  }
0x154: {  	_ =	swait.ge [sflag:s14], $0x2000  }
0x155: {  	[sflag:s14] =	ssyncset.done $0x0  }
0x156: {  	[sflag:s14] =	ssyncadd.s32 $0xFFFFE000  }
0x157: {  	_ =	swait.ge [sflag:s14], $0x2000  }
0x158: {  	[sflag:s14] =	ssyncset.done $0x0  }
0x159: {  	[sflag:s14] =	ssyncadd.s32 $0xFFFFE000  }
0x15a: {  	_ =	swait.ge [sflag:s14], $0x2000  }
0x15b: {  	[sflag:s14] =	ssyncset.done $0x0  }
0x15c: {  	[sflag:s14] =	ssyncadd.s32 $0xFFFFE000  }
0x15d: {  	_ =	swait.ge [sflag:s14], $0x2000  }
0x15e: {  	[sflag:s14] =	ssyncset.done $0x0  }
0x15f: {  	[sflag:s14] =	ssyncadd.s32 $0xFFFFE000  }
0x160: {  	_ =	swait.ge [sflag:s15], $0x2000  }
0x161: {  	[sflag:s15] =	ssyncset.done $0x0  }
0x162: {  	[sflag:s15] =	ssyncadd.s32 $0xFFFFE000  }
0x163: {  	_ =	swait.ge [sflag:s15], $0x2000  }
0x164: {  	[sflag:s15] =	ssyncset.done $0x0  }
0x165: {  	[sflag:s15] =	ssyncadd.s32 $0xFFFFE000  }
0x166: {  	_ =	swait.ge [sflag:s15], $0x2000  }
0x167: {  	[sflag:s15] =	ssyncset.done $0x0  }
0x168: {  	[sflag:s15] =	ssyncadd.s32 $0xFFFFE000  }
0x169: {  	_ =	swait.ge [sflag:s15], $0x2000  }
0x16a: {  	[sflag:s15] =	ssyncset.done $0x0  }
0x16b: {  	[sflag:s15] =	ssyncadd.s32 $0xFFFFE000  }
0x16c: {  	_ =	swait.ge [sflag:s20], $0x8000  }
0x16d: {  	[sflag:s20] =	ssyncset.done $0x0  }
0x16e: {  	[sflag:s20] =	ssyncadd.s32 $0xFFFF8000  }
0x16f: {  	_ =	swait.ge [sflag:s20], $0x8000  }
0x170: {  	[sflag:s20] =	ssyncset.done $0x0  }
0x171: {  	[sflag:s20] =	ssyncadd.s32 $0xFFFF8000  }
0x172: {  	_ =	swait.ge [sflag:s20], $0x8000  }
0x173: {  	[sflag:s20] =	ssyncset.done $0x0  }
0x174: {  	[sflag:s20] =	ssyncadd.s32 $0xFFFF8000  }
0x175: {  	_ =	swait.ge [sflag:s20], $0x8000  }
0x176: {  	[sflag:s20] =	ssyncset.done $0x0  }
0x177: {  	[sflag:s20] =	ssyncadd.s32 $0xFFFF8000  }
0x178: {  	_ =	swait.ge [sflag:s20], $0x8000  }
0x179: {  	[sflag:s20] =	ssyncset.done $0x0  }
0x17a: {  	[sflag:s20] =	ssyncadd.s32 $0xFFFF8000  }
0x17b: {  	_ =	swait.ge [sflag:s20], $0x8000  }
0x17c: {  	[sflag:s20] =	ssyncset.done $0x0  }
0x17d: {  	[sflag:s20] =	ssyncadd.s32 $0xFFFF8000  }
0x17e: {  	_ =	swait.ge [sflag:s20], $0x8000  }
0x17f: {  	[sflag:s20] =	ssyncset.done $0x0  }
0x180: {  	[sflag:s20] =	ssyncadd.s32 $0xFFFF8000  }
0x181: {  	_ =	swait.ge [sflag:s20], $0x8000  }
0x182: {  	[sflag:s20] =	ssyncset.done $0x0  }
0x183: {  	[sflag:s20] =	ssyncadd.s32 $0xFFFF8000  }
0x184: {  	_ =	swait.ge [sflag:s20], $0x8000  }
0x185: {  	[sflag:s20] =	ssyncset.done $0x0  }
0x186: {  	[sflag:s20] =	ssyncadd.s32 $0xFFFF8000  }
0x187: {  	_ =	swait.ge [sflag:s20], $0x8000  }
0x188: {  	[sflag:s20] =	ssyncset.done $0x0  }
0x189: {  	[sflag:s20] =	ssyncadd.s32 $0xFFFF8000  }
0x18a: {  	_ =	swait.ge [sflag:s20], $0x8000  }
0x18b: {  	[sflag:s20] =	ssyncset.done $0x0  }
0x18c: {  	[sflag:s20] =	ssyncadd.s32 $0xFFFF8000  }
0x18d: {  	_ =	swait.ge [sflag:s20], $0x8000  }
0x18e: {  	[sflag:s20] =	ssyncset.done $0x0  }
0x18f: {  	[sflag:s20] =	ssyncadd.s32 $0xFFFF8000  }
0x190: {  	_ =	swait.ge [sflag:s20], $0x8000  }
0x191: {  	[sflag:s20] =	ssyncset.done $0x0  }
0x192: {  	[sflag:s20] =	ssyncadd.s32 $0xFFFF8000  }
0x193: {  	_ =	swait.ge [sflag:s20], $0x8000  }
0x194: {  	[sflag:s20] =	ssyncset.done $0x0  }
0x195: {  	[sflag:s20] =	ssyncadd.s32 $0xFFFF8000  }
0x196: {  	_ =	swait.ge [sflag:s20], $0x8000  }
0x197: {  	[sflag:s20] =	ssyncset.done $0x0  }
0x198: {  	[sflag:s20] =	ssyncadd.s32 $0xFFFF8000  }
0x199: {  	_ =	swait.ge [sflag:s20], $0x8000  }
0x19a: {  	[sflag:s20] =	ssyncset.done $0x0  }
0x19b: {  	[sflag:s20] =	ssyncadd.s32 $0xFFFF8000  }
0x19c: {  	_ =	swait.ge [sflag:s20], $0x8000  }
0x19d: {  	[sflag:s20] =	ssyncset.done $0x0  }
0x19e: {  	[sflag:s20] =	ssyncadd.s32 $0xFFFF8000  }
0x19f: {  	_ =	swait.ge [sflag:s20], $0x8000  }
0x1a0: {  	[sflag:s20] =	ssyncset.done $0x0  }
0x1a1: {  	[sflag:s20] =	ssyncadd.s32 $0xFFFF8000  }
0x1a2: {  	_ =	swait.ge [sflag:s20], $0x8000  }
0x1a3: {  	[sflag:s20] =	ssyncset.done $0x0  }
0x1a4: {  	[sflag:s20] =	ssyncadd.s32 $0xFFFF8000  }
0x1a5: {  	_ =	swait.ge [sflag:s20], $0x8000  }
0x1a6: {  	[sflag:s20] =	ssyncset.done $0x0  }
0x1a7: {  	[sflag:s20] =	ssyncadd.s32 $0xFFFF8000  }
0x1a8: {  	_ =	swait.ge [sflag:s20], $0x8000  }
0x1a9: {  	[sflag:s20] =	ssyncset.done $0x0  }
0x1aa: {  	[sflag:s20] =	ssyncadd.s32 $0xFFFF8000  }
0x1ab: {  	_ =	swait.ge [sflag:s20], $0x8000  }
0x1ac: {  	[sflag:s20] =	ssyncset.done $0x0  }
0x1ad: {  	[sflag:s20] =	ssyncadd.s32 $0xFFFF8000  }
0x1ae: {  	_ =	swait.ge [sflag:s20], $0x8000  }
0x1af: {  	[sflag:s20] =	ssyncset.done $0x0  }
0x1b0: {  	[sflag:s20] =	ssyncadd.s32 $0xFFFF8000  }
0x1b1: {  	_ =	swait.ge [sflag:s20], $0x8000  }
0x1b2: {  	[sflag:s20] =	ssyncset.done $0x0  }
0x1b3: {  	[sflag:s20] =	ssyncadd.s32 $0xFFFF8000  }
0x1b4: {  	_ =	swait.ge [sflag:s20], $0x8000  }
0x1b5: {  	[sflag:s20] =	ssyncset.done $0x0  }
0x1b6: {  	[sflag:s20] =	ssyncadd.s32 $0xFFFF8000  }
0x1b7: {  	_ =	swait.ge [sflag:s20], $0x8000  }
0x1b8: {  	[sflag:s20] =	ssyncset.done $0x0  }
0x1b9: {  	[sflag:s20] =	ssyncadd.s32 $0xFFFF8000  }
0x1ba: {  	_ =	swait.ge [sflag:s20], $0x8000  }
0x1bb: {  	[sflag:s20] =	ssyncset.done $0x0  }
0x1bc: {  	[sflag:s20] =	ssyncadd.s32 $0xFFFF8000  }
0x1bd: {  	_ =	swait.ge [sflag:s20], $0x8000  }
0x1be: {  	[sflag:s20] =	ssyncset.done $0x0  }
0x1bf: {  	[sflag:s20] =	ssyncadd.s32 $0xFFFF8000  }
0x1c0: {  	_ =	swait.ge [sflag:s20], $0x8000  }
0x1c1: {  	[sflag:s20] =	ssyncset.done $0x0  }
0x1c2: {  	[sflag:s20] =	ssyncadd.s32 $0xFFFF8000  }
0x1c3: {  	_ =	swait.ge [sflag:s20], $0x8000  }
0x1c4: {  	[sflag:s20] =	ssyncset.done $0x0  }
0x1c5: {  	s21 =	sadd.s32 $0x1, s21;
	[sflag:s20] =	ssyncadd.s32 $0xFFFF8000  }
0x1c6: {  	p0 =	sne.s32 s21, s12;
	_ =	swait.ge [sflag:s20], $0x8000  }
.Ltmp3:
0x1c7: {  	[sflag:s20] =	ssyncset.done $0x0;
	(pc) =	sbr.rel @p0 .LBB2_1-.Ltmp3, $4  }
0x1c8: {  	[sflag:s20] =	ssyncadd.s32 $0xFFFF8000  }
0x1c9: {  	_ =	swait.ge [sflag:s20], $0x8000  }
0x1ca: {  	[sflag:s20] =	ssyncset.done $0x0  }
0x1cb: {  	[sflag:s20] =	ssyncadd.s32 $0xFFFF8000  }
0x1cc: {  	_ =	sfence.sel $0x180000  }
0x1cd: {  	[bflag:$0x0] =	sbarrier.arrive $0xFFFF  }
0x1ce: {  	p0 =	sne.s32 s1, $0x0;
	_ =	strace $0x90000047  }
0x1cf: {  	s0 =	sadd.s32 @!p0 $0x100000, s0;
	[bflag:$0x2] =	sbarrier.arrive $0xFFFF  }
0x1d0: {  	[sflag:s0] =	ssyncadd.tile.s32 @!p0 $0x1;
	_ =	shalt  }
.Lfunc_end2:
_tile_overlayer_lowered:
.L_overlay_start_2:
0x1d1: {  	(tag) =	ssettag $0x2  }
0x1d2: {  	s0 =	rddreg [dreg:$0x0];
	s2 =	stileid.u32  }
0x1d3: {  	s1 =	rddreg [dreg:$0x1];
	p0 =	sne.s32 s2, $0x0  }
0x1d4: {  	s3 =	rddreg [dreg:$0x2];
	[bflag:$0x3] =	sbarrier.arrive $0xFFFF;
	s2 =	simm.s32 @!p0 $0x1C04  }
0x1d5: {  	[timem:s3], [sflag:s2] =	dma.local @!p0 [hbm:s0], s1  }
0x1d6: {  	s0 =	simm.s32 @!p0 $0x4  }
0x1d7: {  	_ =	swait.ge @!p0 [sflag:s0], s1  }
0x1d8: {  	s1 =	ssub.s32 @!p0 $0x0, s1;
	[sflag:s0] =	ssyncset.done @!p0 $0x0  }
0x1d9: {  	[sflag:s0] =	ssyncadd.s32 @!p0 s1  }
0x1da: {  	[bflag:$0x3] =	sbarrier.arrive $0xFFFF  }
0x1db: {  	_ =	shalt  }

</sc_bundles>
